<compile_context>
chip_gen: v7x
topology: tpu7x:2x2x1
jax: 0.10.2.dev20260603
libtpu: 0.0.44.dev20260713+nightly
codegen_flags: <defaults>
</compile_context>

<pallas_src>
import jax
import jax.numpy as jnp
from jax import lax
from jax.experimental import pallas as pl
from jax.experimental.pallas import tpu as pltpu, tpu_sc as plsc

NUM_NODES = 50000
D_FEAT = 256
NUM_GRAPHS = 128

NUM_CORES = 2
NUM_SUBCORES = 16
COLS_PER_CORE = D_FEAT // NUM_CORES

CHUNK = 80
NUM_CHUNKS = NUM_NODES // CHUNK
SUPER = 5
SROWS = SUPER * CHUNK
NSUPER = 3
SC_CHUNKS_PER_SUB = NSUPER * SUPER
SC_ROWS = NUM_SUBCORES * SC_CHUNKS_PER_SUB * CHUNK
SC_CHUNK0 = NUM_CHUNKS - NUM_SUBCORES * SC_CHUNKS_PER_SUB

TC_ROWS = NUM_NODES - SC_ROWS
TC_NB = 10
TC_BS = TC_ROWS // TC_NB


def _sc_pool_kernel(x_hbm, batch_hbm, out_hbm,
                    idx3d_v, rows_v, obuf_v, acc_sh,
                    gsem0, gsem1, ssem0, ssem1, isem):
    c = lax.axis_index("c")
    s = lax.axis_index("s")
    col0 = c * COLS_PER_CORE
    gsems = (gsem0, gsem1)
    ssems = (ssem0, ssem1)

    start = SC_CHUNK0 + s * SC_CHUNKS_PER_SUB

    def super_src(g):
        return x_hbm.at[pl.ds((start + g * SUPER) * CHUNK, SROWS),
                        pl.ds(col0, COLS_PER_CORE)]

    pltpu.async_copy(super_src(0), rows_v.at[0], gsems[0])

    for j in range(SC_CHUNKS_PER_SUB):
        pltpu.async_copy(
            batch_hbm.at[pl.ds((start + j) * CHUNK, CHUNK)],
            idx3d_v.at[j, 0], isem)

    zeros16 = jnp.zeros((16,), jnp.float32)
    for i in range(8):
        for j in range(COLS_PER_CORE // 16):
            obuf_v[i, pl.ds(j * 16, 16)] = zeros16
    pltpu.sync_copy(obuf_v, acc_sh.at[pl.ds(s * 8, 8), :])
    plsc.subcore_barrier()

    for j in range(SC_CHUNKS_PER_SUB):
        pltpu.make_async_copy(
            batch_hbm.at[pl.ds((start + j) * CHUNK, CHUNK)],
            idx3d_v.at[j, 0], isem).wait()

    def scatter_slices(g, b):
        for k in range(SUPER):
            yield (rows_v.at[b, pl.ds(k * CHUNK, CHUNK)],
                   acc_sh.at[idx3d_v.at[g * SUPER + k, 0]])

    def body(i, carry):
        for b in range(2):
            g = 2 * i + b
            nb = (b + 1) % 2

            @pl.when(g < NSUPER)
            def _():
                pltpu.make_async_copy(super_src(0), rows_v.at[b],
                                      gsems[b]).wait()
                for src, dst in scatter_slices(g, b):
                    pltpu.async_copy(src, dst, ssems[b], add=True)

            @pl.when((g >= 1) & (g - 1 < NSUPER))
            def _():
                for src, dst in scatter_slices(g - 1, nb):
                    pltpu.make_async_copy(src, dst, ssems[nb]).wait()

            @pl.when(g + 1 < NSUPER)
            def _():
                pltpu.async_copy(super_src(g + 1), rows_v.at[nb], gsems[nb])

        return carry

    lax.fori_loop(0, (NSUPER + 2) // 2, body, 0)
    plsc.subcore_barrier()

    pltpu.sync_copy(acc_sh.at[pl.ds(s * 8, 8), :], obuf_v)
    pltpu.sync_copy(
        obuf_v, out_hbm.at[pl.ds(s * 8, 8), pl.ds(col0, COLS_PER_CORE)]
    )


def _tc_pool_kernel(x_ref, b_ref, out_ref):
    @pl.when(pl.program_id(0) == 0)
    def _():
        out_ref[...] = jnp.zeros_like(out_ref)

    seg = lax.broadcasted_iota(jnp.int32, (NUM_GRAPHS, TC_BS), 0)
    onehot = (b_ref[0, 0][None, :] == seg).astype(jnp.float32)
    out_ref[...] += jnp.dot(onehot, x_ref[...],
                            preferred_element_type=jnp.float32)


@jax.jit
def kernel(x, batch):
    batch = batch.astype(jnp.int32)
    batch3d_tc = lax.slice(batch, (0,), (TC_ROWS,)).reshape(TC_NB, 1, TC_BS)

    mesh = plsc.VectorSubcoreMesh(core_axis_name="c", subcore_axis_name="s")
    sc_out = pl.kernel(
        _sc_pool_kernel,
        out_type=jax.ShapeDtypeStruct((NUM_GRAPHS, D_FEAT), jnp.float32),
        mesh=mesh,
        scratch_types=[
            pltpu.VMEM((SC_CHUNKS_PER_SUB, 1, CHUNK), jnp.int32),
            pltpu.VMEM((2, SROWS, COLS_PER_CORE), jnp.float32),
            pltpu.VMEM((8, COLS_PER_CORE), jnp.float32),
            pltpu.VMEM_SHARED((NUM_GRAPHS, COLS_PER_CORE), jnp.float32),
            pltpu.SemaphoreType.DMA,
            pltpu.SemaphoreType.DMA,
            pltpu.SemaphoreType.DMA,
            pltpu.SemaphoreType.DMA,
            pltpu.SemaphoreType.DMA,
        ],
    )(x, batch)

    tc_out = pl.pallas_call(
        _tc_pool_kernel,
        grid=(TC_NB,),
        in_specs=[
            pl.BlockSpec((TC_BS, D_FEAT), lambda i: (i, 0)),
            pl.BlockSpec((1, 1, TC_BS), lambda i: (i, 0, 0)),
        ],
        out_specs=pl.BlockSpec((NUM_GRAPHS, D_FEAT), lambda i: (0, 0)),
        out_shape=jax.ShapeDtypeStruct((NUM_GRAPHS, D_FEAT), jnp.float32),
    )(x, batch3d_tc)

    return sc_out + tc_out

# --- scband reference (transcript-rebuilt; emitter-appended) ---
"""Pipeline reference for scband-global-pool-41077067219076 (READ-ONLY COPY).

The authoritative reference and input builder live on the scoring server;
editing this copy changes nothing except your own understanding.
"""

import jax, jax.numpy as jnp
import numpy as np

NUM_NODES = 50000
D_FEAT = 256
NUM_GRAPHS = 128

def setup_inputs(seed: int = 0) -> dict:
    key = jax.random.key(seed)
    k1, k2 = jax.random.split(key)
    x = jax.random.normal(k1, (NUM_NODES, D_FEAT), dtype=jnp.float32)
    batch = jnp.sort(jax.random.randint(k2, (NUM_NODES,), 0, NUM_GRAPHS, dtype=jnp.int64))
    return {"x": x, "batch": batch}

def reference(x, batch):
    # GlobalPool with aggr='add' == global_add_pool: scatter-add node features by graph id
    out = jax.ops.segment_sum(x, batch, num_segments=NUM_GRAPHS)
    return out

if __name__ == "__main__":
    import jax
    _d = setup_inputs()
    print(jax.jit(kernel)(*tuple(_d.values())))

</pallas_src>

<mosaic_0001>
#map = affine_map<(d0, d1) -> (0, 0)>
#map1 = affine_map<(d0, d1) -> (0)>
module attributes {stable_mosaic.version = 14 : i64} {
  func.func @_sc_pool_kernel(%arg0: i32, %arg1: i32, %arg2: memref<50000x256xf32, #tpu.memory_space<hbm>>, %arg3: memref<50000xi32, #tpu.memory_space<hbm>>, %arg4: memref<128x256xf32, #tpu.memory_space<hbm>>, %arg5: memref<15x1x80xi32, #tpu.memory_space<vmem>>, %arg6: memref<2x400x128xf32, #tpu.memory_space<vmem>>, %arg7: memref<8x128xf32, #tpu.memory_space<vmem>>, %arg8: memref<128x128xf32, #tpu.memory_space<vmem_shared>>, %arg9: memref<!tpu.dma_semaphore, #tpu.memory_space<semaphore_mem>>, %arg10: memref<!tpu.dma_semaphore, #tpu.memory_space<semaphore_mem>>, %arg11: memref<!tpu.dma_semaphore, #tpu.memory_space<semaphore_mem>>, %arg12: memref<!tpu.dma_semaphore, #tpu.memory_space<semaphore_mem>>, %arg13: memref<!tpu.dma_semaphore, #tpu.memory_space<semaphore_mem>>) attributes {dimension_semantics = [#tpu.dimension_semantics<core_parallel>, #tpu.dimension_semantics<subcore_parallel>], iteration_bounds = array<i64: 2, 16>, scalar_prefetch = 0 : i64, scratch_operands = 9 : i64, tpu.core_type = #tpu.core_type<sc_vector_subcore>, window_params = [{transform_indices = #map}, {transform_indices = #map1}, {transform_indices = #map}]} {
    %mul3A = arith.constant 128 : i32
    %mul3A_0 = arith.muli %arg0, %mul3A : i32
    %mul3A_1 = arith.constant 15 : i32
    %mul3A_2 = arith.muli %arg1, %mul3A_1 : i32
    %add3A = arith.constant 385 : i32
    %add3A_3 = arith.addi %add3A, %mul3A_2 : i32
    %add3A_4 = arith.constant 0 : i32
    %add3A_5 = arith.addi %add3A_3, %add3A_4 : i32
    %mul3A_6 = arith.constant 80 : i32
    %mul3A_7 = arith.muli %add3A_5, %mul3A_6 : i32
    %dma_start3A = arith.constant 0 : i32
    %dma_start3A_8 = arith.constant 0 : i32
    %dma_start3A_9 = arith.constant 0 : i32
    %dma_start3A_10 = tpu.memref_slice %arg6[%dma_start3A, %dma_start3A_8, %dma_start3A_9] : memref<2x400x128xf32, #tpu.memory_space<vmem>> -> memref<1x400x128xf32, #tpu.memory_space<vmem>>
    %dma_start3A_11 = tpu.memref_squeeze %dma_start3A_10 : memref<1x400x128xf32, #tpu.memory_space<vmem>> -> memref<400x128xf32, #tpu.memory_space<vmem>>
    %dma_start3A_12 = tpu.memref_slice %arg2[%mul3A_7, %mul3A_0] : memref<50000x256xf32, #tpu.memory_space<hbm>> -> memref<400x128xf32, #tpu.memory_space<hbm>>
    %dma_start3A_13 = arith.constant 0 : i32
    %dma_start3A_14 = arith.constant 0 : i32
    %dma_start3A_15 = tpu.memref_slice %arg6[%dma_start3A, %dma_start3A_13, %dma_start3A_14] : memref<2x400x128xf32, #tpu.memory_space<vmem>> -> memref<1x400x128xf32, #tpu.memory_space<vmem>>
    %dma_start3A_16 = tpu.memref_squeeze %dma_start3A_15 : memref<1x400x128xf32, #tpu.memory_space<vmem>> -> memref<400x128xf32, #tpu.memory_space<vmem>>
    %dma_start3A_17 = tpu.memref_slice %arg2[%mul3A_7, %mul3A_0] : memref<50000x256xf32, #tpu.memory_space<hbm>> -> memref<400x128xf32, #tpu.memory_space<hbm>>
    tpu.enqueue_dma source(%dma_start3A_17 : memref<400x128xf32, #tpu.memory_space<hbm>>) target(%dma_start3A_16 : memref<400x128xf32, #tpu.memory_space<vmem>>) target_semaphore(%arg9 : memref<!tpu.dma_semaphore, #tpu.memory_space<semaphore_mem>>)
    %add3A_18 = arith.constant 0 : i32
    %add3A_19 = arith.addi %add3A_3, %add3A_18 : i32
    %mul3A_20 = arith.constant 80 : i32
    %mul3A_21 = arith.muli %add3A_19, %mul3A_20 : i32
    %dma_start3A_22 = arith.constant 0 : i32
    %dma_start3A_23 = arith.constant 0 : i32
    %dma_start3A_24 = arith.constant 0 : i32
    %dma_start3A_25 = tpu.memref_slice %arg5[%dma_start3A_22, %dma_start3A_23, %dma_start3A_24] : memref<15x1x80xi32, #tpu.memory_space<vmem>> -> memref<1x1x80xi32, #tpu.memory_space<vmem>>
    %dma_start3A_26 = tpu.memref_squeeze %dma_start3A_25 : memref<1x1x80xi32, #tpu.memory_space<vmem>> -> memref<80xi32, #tpu.memory_space<vmem>>
    %dma_start3A_27 = tpu.memref_slice %arg3[%mul3A_21] : memref<50000xi32, #tpu.memory_space<hbm>> -> memref<80xi32, #tpu.memory_space<hbm>>
    %dma_start3A_28 = arith.constant 0 : i32
    %dma_start3A_29 = tpu.memref_slice %arg5[%dma_start3A_22, %dma_start3A_23, %dma_start3A_28] : memref<15x1x80xi32, #tpu.memory_space<vmem>> -> memref<1x1x80xi32, #tpu.memory_space<vmem>>
    %dma_start3A_30 = tpu.memref_squeeze %dma_start3A_29 : memref<1x1x80xi32, #tpu.memory_space<vmem>> -> memref<80xi32, #tpu.memory_space<vmem>>
    %dma_start3A_31 = tpu.memref_slice %arg3[%mul3A_21] : memref<50000xi32, #tpu.memory_space<hbm>> -> memref<80xi32, #tpu.memory_space<hbm>>
    tpu.enqueue_dma source(%dma_start3A_31 : memref<80xi32, #tpu.memory_space<hbm>>) target(%dma_start3A_30 : memref<80xi32, #tpu.memory_space<vmem>>) target_semaphore(%arg13 : memref<!tpu.dma_semaphore, #tpu.memory_space<semaphore_mem>>)
    %add3A_32 = arith.constant 1 : i32
    %add3A_33 = arith.addi %add3A_3, %add3A_32 : i32
    %mul3A_34 = arith.constant 80 : i32
    %mul3A_35 = arith.muli %add3A_33, %mul3A_34 : i32
    %dma_start3A_36 = arith.constant 1 : i32
    %dma_start3A_37 = arith.constant 0 : i32
    %dma_start3A_38 = arith.constant 0 : i32
    %dma_start3A_39 = tpu.memref_slice %arg5[%dma_start3A_36, %dma_start3A_37, %dma_start3A_38] : memref<15x1x80xi32, #tpu.memory_space<vmem>> -> memref<1x1x80xi32, #tpu.memory_space<vmem>>
    %dma_start3A_40 = tpu.memref_squeeze %dma_start3A_39 : memref<1x1x80xi32, #tpu.memory_space<vmem>> -> memref<80xi32, #tpu.memory_space<vmem>>
    %dma_start3A_41 = tpu.memref_slice %arg3[%mul3A_35] : memref<50000xi32, #tpu.memory_space<hbm>> -> memref<80xi32, #tpu.memory_space<hbm>>
    %dma_start3A_42 = arith.constant 0 : i32
    %dma_start3A_43 = tpu.memref_slice %arg5[%dma_start3A_36, %dma_start3A_37, %dma_start3A_42] : memref<15x1x80xi32, #tpu.memory_space<vmem>> -> memref<1x1x80xi32, #tpu.memory_space<vmem>>
    %dma_start3A_44 = tpu.memref_squeeze %dma_start3A_43 : memref<1x1x80xi32, #tpu.memory_space<vmem>> -> memref<80xi32, #tpu.memory_space<vmem>>
    %dma_start3A_45 = tpu.memref_slice %arg3[%mul3A_35] : memref<50000xi32, #tpu.memory_space<hbm>> -> memref<80xi32, #tpu.memory_space<hbm>>
    tpu.enqueue_dma source(%dma_start3A_45 : memref<80xi32, #tpu.memory_space<hbm>>) target(%dma_start3A_44 : memref<80xi32, #tpu.memory_space<vmem>>) target_semaphore(%arg13 : memref<!tpu.dma_semaphore, #tpu.memory_space<semaphore_mem>>)
    %add3A_46 = arith.constant 2 : i32
    %add3A_47 = arith.addi %add3A_3, %add3A_46 : i32
    %mul3A_48 = arith.constant 80 : i32
    %mul3A_49 = arith.muli %add3A_47, %mul3A_48 : i32
    %dma_start3A_50 = arith.constant 2 : i32
    %dma_start3A_51 = arith.constant 0 : i32
    %dma_start3A_52 = arith.constant 0 : i32
    %dma_start3A_53 = tpu.memref_slice %arg5[%dma_start3A_50, %dma_start3A_51, %dma_start3A_52] : memref<15x1x80xi32, #tpu.memory_space<vmem>> -> memref<1x1x80xi32, #tpu.memory_space<vmem>>
    %dma_start3A_54 = tpu.memref_squeeze %dma_start3A_53 : memref<1x1x80xi32, #tpu.memory_space<vmem>> -> memref<80xi32, #tpu.memory_space<vmem>>
    %dma_start3A_55 = tpu.memref_slice %arg3[%mul3A_49] : memref<50000xi32, #tpu.memory_space<hbm>> -> memref<80xi32, #tpu.memory_space<hbm>>
    %dma_start3A_56 = arith.constant 0 : i32
    %dma_start3A_57 = tpu.memref_slice %arg5[%dma_start3A_50, %dma_start3A_51, %dma_start3A_56] : memref<15x1x80xi32, #tpu.memory_space<vmem>> -> memref<1x1x80xi32, #tpu.memory_space<vmem>>
    %dma_start3A_58 = tpu.memref_squeeze %dma_start3A_57 : memref<1x1x80xi32, #tpu.memory_space<vmem>> -> memref<80xi32, #tpu.memory_space<vmem>>
    %dma_start3A_59 = tpu.memref_slice %arg3[%mul3A_49] : memref<50000xi32, #tpu.memory_space<hbm>> -> memref<80xi32, #tpu.memory_space<hbm>>
    tpu.enqueue_dma source(%dma_start3A_59 : memref<80xi32, #tpu.memory_space<hbm>>) target(%dma_start3A_58 : memref<80xi32, #tpu.memory_space<vmem>>) target_semaphore(%arg13 : memref<!tpu.dma_semaphore, #tpu.memory_space<semaphore_mem>>)
    %add3A_60 = arith.constant 3 : i32
    %add3A_61 = arith.addi %add3A_3, %add3A_60 : i32
    %mul3A_62 = arith.constant 80 : i32
    %mul3A_63 = arith.muli %add3A_61, %mul3A_62 : i32
    %dma_start3A_64 = arith.constant 3 : i32
    %dma_start3A_65 = arith.constant 0 : i32
    %dma_start3A_66 = arith.constant 0 : i32
    %dma_start3A_67 = tpu.memref_slice %arg5[%dma_start3A_64, %dma_start3A_65, %dma_start3A_66] : memref<15x1x80xi32, #tpu.memory_space<vmem>> -> memref<1x1x80xi32, #tpu.memory_space<vmem>>
    %dma_start3A_68 = tpu.memref_squeeze %dma_start3A_67 : memref<1x1x80xi32, #tpu.memory_space<vmem>> -> memref<80xi32, #tpu.memory_space<vmem>>
    %dma_start3A_69 = tpu.memref_slice %arg3[%mul3A_63] : memref<50000xi32, #tpu.memory_space<hbm>> -> memref<80xi32, #tpu.memory_space<hbm>>
    %dma_start3A_70 = arith.constant 0 : i32
    %dma_start3A_71 = tpu.memref_slice %arg5[%dma_start3A_64, %dma_start3A_65, %dma_start3A_70] : memref<15x1x80xi32, #tpu.memory_space<vmem>> -> memref<1x1x80xi32, #tpu.memory_space<vmem>>
    %dma_start3A_72 = tpu.memref_squeeze %dma_start3A_71 : memref<1x1x80xi32, #tpu.memory_space<vmem>> -> memref<80xi32, #tpu.memory_space<vmem>>
    %dma_start3A_73 = tpu.memref_slice %arg3[%mul3A_63] : memref<50000xi32, #tpu.memory_space<hbm>> -> memref<80xi32, #tpu.memory_space<hbm>>
    tpu.enqueue_dma source(%dma_start3A_73 : memref<80xi32, #tpu.memory_space<hbm>>) target(%dma_start3A_72 : memref<80xi32, #tpu.memory_space<vmem>>) target_semaphore(%arg13 : memref<!tpu.dma_semaphore, #tpu.memory_space<semaphore_mem>>)
    %add3A_74 = arith.constant 4 : i32
    %add3A_75 = arith.addi %add3A_3, %add3A_74 : i32
    %mul3A_76 = arith.constant 80 : i32
    %mul3A_77 = arith.muli %add3A_75, %mul3A_76 : i32
    %dma_start3A_78 = arith.constant 4 : i32
    %dma_start3A_79 = arith.constant 0 : i32
    %dma_start3A_80 = arith.constant 0 : i32
    %dma_start3A_81 = tpu.memref_slice %arg5[%dma_start3A_78, %dma_start3A_79, %dma_start3A_80] : memref<15x1x80xi32, #tpu.memory_space<vmem>> -> memref<1x1x80xi32, #tpu.memory_space<vmem>>
    %dma_start3A_82 = tpu.memref_squeeze %dma_start3A_81 : memref<1x1x80xi32, #tpu.memory_space<vmem>> -> memref<80xi32, #tpu.memory_space<vmem>>
    %dma_start3A_83 = tpu.memref_slice %arg3[%mul3A_77] : memref<50000xi32, #tpu.memory_space<hbm>> -> memref<80xi32, #tpu.memory_space<hbm>>
    %dma_start3A_84 = arith.constant 0 : i32
    %dma_start3A_85 = tpu.memref_slice %arg5[%dma_start3A_78, %dma_start3A_79, %dma_start3A_84] : memref<15x1x80xi32, #tpu.memory_space<vmem>> -> memref<1x1x80xi32, #tpu.memory_space<vmem>>
    %dma_start3A_86 = tpu.memref_squeeze %dma_start3A_85 : memref<1x1x80xi32, #tpu.memory_space<vmem>> -> memref<80xi32, #tpu.memory_space<vmem>>
    %dma_start3A_87 = tpu.memref_slice %arg3[%mul3A_77] : memref<50000xi32, #tpu.memory_space<hbm>> -> memref<80xi32, #tpu.memory_space<hbm>>
    tpu.enqueue_dma source(%dma_start3A_87 : memref<80xi32, #tpu.memory_space<hbm>>) target(%dma_start3A_86 : memref<80xi32, #tpu.memory_space<vmem>>) target_semaphore(%arg13 : memref<!tpu.dma_semaphore, #tpu.memory_space<semaphore_mem>>)
    %add3A_88 = arith.constant 5 : i32
    %add3A_89 = arith.addi %add3A_3, %add3A_88 : i32
    %mul3A_90 = arith.constant 80 : i32
    %mul3A_91 = arith.muli %add3A_89, %mul3A_90 : i32
    %dma_start3A_92 = arith.constant 5 : i32
    %dma_start3A_93 = arith.constant 0 : i32
    %dma_start3A_94 = arith.constant 0 : i32
    %dma_start3A_95 = tpu.memref_slice %arg5[%dma_start3A_92, %dma_start3A_93, %dma_start3A_94] : memref<15x1x80xi32, #tpu.memory_space<vmem>> -> memref<1x1x80xi32, #tpu.memory_space<vmem>>
    %dma_start3A_96 = tpu.memref_squeeze %dma_start3A_95 : memref<1x1x80xi32, #tpu.memory_space<vmem>> -> memref<80xi32, #tpu.memory_space<vmem>>
    %dma_start3A_97 = tpu.memref_slice %arg3[%mul3A_91] : memref<50000xi32, #tpu.memory_space<hbm>> -> memref<80xi32, #tpu.memory_space<hbm>>
    %dma_start3A_98 = arith.constant 0 : i32
    %dma_start3A_99 = tpu.memref_slice %arg5[%dma_start3A_92, %dma_start3A_93, %dma_start3A_98] : memref<15x1x80xi32, #tpu.memory_space<vmem>> -> memref<1x1x80xi32, #tpu.memory_space<vmem>>
    %dma_start3A_100 = tpu.memref_squeeze %dma_start3A_99 : memref<1x1x80xi32, #tpu.memory_space<vmem>> -> memref<80xi32, #tpu.memory_space<vmem>>
    %dma_start3A_101 = tpu.memref_slice %arg3[%mul3A_91] : memref<50000xi32, #tpu.memory_space<hbm>> -> memref<80xi32, #tpu.memory_space<hbm>>
    tpu.enqueue_dma source(%dma_start3A_101 : memref<80xi32, #tpu.memory_space<hbm>>) target(%dma_start3A_100 : memref<80xi32, #tpu.memory_space<vmem>>) target_semaphore(%arg13 : memref<!tpu.dma_semaphore, #tpu.memory_space<semaphore_mem>>)
    %add3A_102 = arith.constant 6 : i32
    %add3A_103 = arith.addi %add3A_3, %add3A_102 : i32
    %mul3A_104 = arith.constant 80 : i32
    %mul3A_105 = arith.muli %add3A_103, %mul3A_104 : i32
    %dma_start3A_106 = arith.constant 6 : i32
    %dma_start3A_107 = arith.constant 0 : i32
    %dma_start3A_108 = arith.constant 0 : i32
    %dma_start3A_109 = tpu.memref_slice %arg5[%dma_start3A_106, %dma_start3A_107, %dma_start3A_108] : memref<15x1x80xi32, #tpu.memory_space<vmem>> -> memref<1x1x80xi32, #tpu.memory_space<vmem>>
    %dma_start3A_110 = tpu.memref_squeeze %dma_start3A_109 : memref<1x1x80xi32, #tpu.memory_space<vmem>> -> memref<80xi32, #tpu.memory_space<vmem>>
    %dma_start3A_111 = tpu.memref_slice %arg3[%mul3A_105] : memref<50000xi32, #tpu.memory_space<hbm>> -> memref<80xi32, #tpu.memory_space<hbm>>
    %dma_start3A_112 = arith.constant 0 : i32
    %dma_start3A_113 = tpu.memref_slice %arg5[%dma_start3A_106, %dma_start3A_107, %dma_start3A_112] : memref<15x1x80xi32, #tpu.memory_space<vmem>> -> memref<1x1x80xi32, #tpu.memory_space<vmem>>
    %dma_start3A_114 = tpu.memref_squeeze %dma_start3A_113 : memref<1x1x80xi32, #tpu.memory_space<vmem>> -> memref<80xi32, #tpu.memory_space<vmem>>
    %dma_start3A_115 = tpu.memref_slice %arg3[%mul3A_105] : memref<50000xi32, #tpu.memory_space<hbm>> -> memref<80xi32, #tpu.memory_space<hbm>>
    tpu.enqueue_dma source(%dma_start3A_115 : memref<80xi32, #tpu.memory_space<hbm>>) target(%dma_start3A_114 : memref<80xi32, #tpu.memory_space<vmem>>) target_semaphore(%arg13 : memref<!tpu.dma_semaphore, #tpu.memory_space<semaphore_mem>>)
    %add3A_116 = arith.constant 7 : i32
    %add3A_117 = arith.addi %add3A_3, %add3A_116 : i32
    %mul3A_118 = arith.constant 80 : i32
    %mul3A_119 = arith.muli %add3A_117, %mul3A_118 : i32
    %dma_start3A_120 = arith.constant 7 : i32
    %dma_start3A_121 = arith.constant 0 : i32
    %dma_start3A_122 = arith.constant 0 : i32
    %dma_start3A_123 = tpu.memref_slice %arg5[%dma_start3A_120, %dma_start3A_121, %dma_start3A_122] : memref<15x1x80xi32, #tpu.memory_space<vmem>> -> memref<1x1x80xi32, #tpu.memory_space<vmem>>
    %dma_start3A_124 = tpu.memref_squeeze %dma_start3A_123 : memref<1x1x80xi32, #tpu.memory_space<vmem>> -> memref<80xi32, #tpu.memory_space<vmem>>
    %dma_start3A_125 = tpu.memref_slice %arg3[%mul3A_119] : memref<50000xi32, #tpu.memory_space<hbm>> -> memref<80xi32, #tpu.memory_space<hbm>>
    %dma_start3A_126 = arith.constant 0 : i32
    %dma_start3A_127 = tpu.memref_slice %arg5[%dma_start3A_120, %dma_start3A_121, %dma_start3A_126] : memref<15x1x80xi32, #tpu.memory_space<vmem>> -> memref<1x1x80xi32, #tpu.memory_space<vmem>>
    %dma_start3A_128 = tpu.memref_squeeze %dma_start3A_127 : memref<1x1x80xi32, #tpu.memory_space<vmem>> -> memref<80xi32, #tpu.memory_space<vmem>>
    %dma_start3A_129 = tpu.memref_slice %arg3[%mul3A_119] : memref<50000xi32, #tpu.memory_space<hbm>> -> memref<80xi32, #tpu.memory_space<hbm>>
    tpu.enqueue_dma source(%dma_start3A_129 : memref<80xi32, #tpu.memory_space<hbm>>) target(%dma_start3A_128 : memref<80xi32, #tpu.memory_space<vmem>>) target_semaphore(%arg13 : memref<!tpu.dma_semaphore, #tpu.memory_space<semaphore_mem>>)
    %add3A_130 = arith.constant 8 : i32
    %add3A_131 = arith.addi %add3A_3, %add3A_130 : i32
    %mul3A_132 = arith.constant 80 : i32
    %mul3A_133 = arith.muli %add3A_131, %mul3A_132 : i32
    %dma_start3A_134 = arith.constant 8 : i32
    %dma_start3A_135 = arith.constant 0 : i32
    %dma_start3A_136 = arith.constant 0 : i32
    %dma_start3A_137 = tpu.memref_slice %arg5[%dma_start3A_134, %dma_start3A_135, %dma_start3A_136] : memref<15x1x80xi32, #tpu.memory_space<vmem>> -> memref<1x1x80xi32, #tpu.memory_space<vmem>>
    %dma_start3A_138 = tpu.memref_squeeze %dma_start3A_137 : memref<1x1x80xi32, #tpu.memory_space<vmem>> -> memref<80xi32, #tpu.memory_space<vmem>>
    %dma_start3A_139 = tpu.memref_slice %arg3[%mul3A_133] : memref<50000xi32, #tpu.memory_space<hbm>> -> memref<80xi32, #tpu.memory_space<hbm>>
    %dma_start3A_140 = arith.constant 0 : i32
    %dma_start3A_141 = tpu.memref_slice %arg5[%dma_start3A_134, %dma_start3A_135, %dma_start3A_140] : memref<15x1x80xi32, #tpu.memory_space<vmem>> -> memref<1x1x80xi32, #tpu.memory_space<vmem>>
    %dma_start3A_142 = tpu.memref_squeeze %dma_start3A_141 : memref<1x1x80xi32, #tpu.memory_space<vmem>> -> memref<80xi32, #tpu.memory_space<vmem>>
    %dma_start3A_143 = tpu.memref_slice %arg3[%mul3A_133] : memref<50000xi32, #tpu.memory_space<hbm>> -> memref<80xi32, #tpu.memory_space<hbm>>
    tpu.enqueue_dma source(%dma_start3A_143 : memref<80xi32, #tpu.memory_space<hbm>>) target(%dma_start3A_142 : memref<80xi32, #tpu.memory_space<vmem>>) target_semaphore(%arg13 : memref<!tpu.dma_semaphore, #tpu.memory_space<semaphore_mem>>)
    %add3A_144 = arith.constant 9 : i32
    %add3A_145 = arith.addi %add3A_3, %add3A_144 : i32
    %mul3A_146 = arith.constant 80 : i32
    %mul3A_147 = arith.muli %add3A_145, %mul3A_146 : i32
    %dma_start3A_148 = arith.constant 9 : i32
    %dma_start3A_149 = arith.constant 0 : i32
    %dma_start3A_150 = arith.constant 0 : i32
    %dma_start3A_151 = tpu.memref_slice %arg5[%dma_start3A_148, %dma_start3A_149, %dma_start3A_150] : memref<15x1x80xi32, #tpu.memory_space<vmem>> -> memref<1x1x80xi32, #tpu.memory_space<vmem>>
    %dma_start3A_152 = tpu.memref_squeeze %dma_start3A_151 : memref<1x1x80xi32, #tpu.memory_space<vmem>> -> memref<80xi32, #tpu.memory_space<vmem>>
    %dma_start3A_153 = tpu.memref_slice %arg3[%mul3A_147] : memref<50000xi32, #tpu.memory_space<hbm>> -> memref<80xi32, #tpu.memory_space<hbm>>
    %dma_start3A_154 = arith.constant 0 : i32
    %dma_start3A_155 = tpu.memref_slice %arg5[%dma_start3A_148, %dma_start3A_149, %dma_start3A_154] : memref<15x1x80xi32, #tpu.memory_space<vmem>> -> memref<1x1x80xi32, #tpu.memory_space<vmem>>
    %dma_start3A_156 = tpu.memref_squeeze %dma_start3A_155 : memref<1x1x80xi32, #tpu.memory_space<vmem>> -> memref<80xi32, #tpu.memory_space<vmem>>
    %dma_start3A_157 = tpu.memref_slice %arg3[%mul3A_147] : memref<50000xi32, #tpu.memory_space<hbm>> -> memref<80xi32, #tpu.memory_space<hbm>>
    tpu.enqueue_dma source(%dma_start3A_157 : memref<80xi32, #tpu.memory_space<hbm>>) target(%dma_start3A_156 : memref<80xi32, #tpu.memory_space<vmem>>) target_semaphore(%arg13 : memref<!tpu.dma_semaphore, #tpu.memory_space<semaphore_mem>>)
    %add3A_158 = arith.constant 10 : i32
    %add3A_159 = arith.addi %add3A_3, %add3A_158 : i32
    %mul3A_160 = arith.constant 80 : i32
    %mul3A_161 = arith.muli %add3A_159, %mul3A_160 : i32
    %dma_start3A_162 = arith.constant 10 : i32
    %dma_start3A_163 = arith.constant 0 : i32
    %dma_start3A_164 = arith.constant 0 : i32
    %dma_start3A_165 = tpu.memref_slice %arg5[%dma_start3A_162, %dma_start3A_163, %dma_start3A_164] : memref<15x1x80xi32, #tpu.memory_space<vmem>> -> memref<1x1x80xi32, #tpu.memory_space<vmem>>
    %dma_start3A_166 = tpu.memref_squeeze %dma_start3A_165 : memref<1x1x80xi32, #tpu.memory_space<vmem>> -> memref<80xi32, #tpu.memory_space<vmem>>
    %dma_start3A_167 = tpu.memref_slice %arg3[%mul3A_161] : memref<50000xi32, #tpu.memory_space<hbm>> -> memref<80xi32, #tpu.memory_space<hbm>>
    %dma_start3A_168 = arith.constant 0 : i32
    %dma_start3A_169 = tpu.memref_slice %arg5[%dma_start3A_162, %dma_start3A_163, %dma_start3A_168] : memref<15x1x80xi32, #tpu.memory_space<vmem>> -> memref<1x1x80xi32, #tpu.memory_space<vmem>>
    %dma_start3A_170 = tpu.memref_squeeze %dma_start3A_169 : memref<1x1x80xi32, #tpu.memory_space<vmem>> -> memref<80xi32, #tpu.memory_space<vmem>>
    %dma_start3A_171 = tpu.memref_slice %arg3[%mul3A_161] : memref<50000xi32, #tpu.memory_space<hbm>> -> memref<80xi32, #tpu.memory_space<hbm>>
    tpu.enqueue_dma source(%dma_start3A_171 : memref<80xi32, #tpu.memory_space<hbm>>) target(%dma_start3A_170 : memref<80xi32, #tpu.memory_space<vmem>>) target_semaphore(%arg13 : memref<!tpu.dma_semaphore, #tpu.memory_space<semaphore_mem>>)
    %add3A_172 = arith.constant 11 : i32
    %add3A_173 = arith.addi %add3A_3, %add3A_172 : i32
    %mul3A_174 = arith.constant 80 : i32
    %mul3A_175 = arith.muli %add3A_173, %mul3A_174 : i32
    %dma_start3A_176 = arith.constant 11 : i32
    %dma_start3A_177 = arith.constant 0 : i32
    %dma_start3A_178 = arith.constant 0 : i32
    %dma_start3A_179 = tpu.memref_slice %arg5[%dma_start3A_176, %dma_start3A_177, %dma_start3A_178] : memref<15x1x80xi32, #tpu.memory_space<vmem>> -> memref<1x1x80xi32, #tpu.memory_space<vmem>>
    %dma_start3A_180 = tpu.memref_squeeze %dma_start3A_179 : memref<1x1x80xi32, #tpu.memory_space<vmem>> -> memref<80xi32, #tpu.memory_space<vmem>>
    %dma_start3A_181 = tpu.memref_slice %arg3[%mul3A_175] : memref<50000xi32, #tpu.memory_space<hbm>> -> memref<80xi32, #tpu.memory_space<hbm>>
    %dma_start3A_182 = arith.constant 0 : i32
    %dma_start3A_183 = tpu.memref_slice %arg5[%dma_start3A_176, %dma_start3A_177, %dma_start3A_182] : memref<15x1x80xi32, #tpu.memory_space<vmem>> -> memref<1x1x80xi32, #tpu.memory_space<vmem>>
    %dma_start3A_184 = tpu.memref_squeeze %dma_start3A_183 : memref<1x1x80xi32, #tpu.memory_space<vmem>> -> memref<80xi32, #tpu.memory_space<vmem>>
    %dma_start3A_185 = tpu.memref_slice %arg3[%mul3A_175] : memref<50000xi32, #tpu.memory_space<hbm>> -> memref<80xi32, #tpu.memory_space<hbm>>
    tpu.enqueue_dma source(%dma_start3A_185 : memref<80xi32, #tpu.memory_space<hbm>>) target(%dma_start3A_184 : memref<80xi32, #tpu.memory_space<vmem>>) target_semaphore(%arg13 : memref<!tpu.dma_semaphore, #tpu.memory_space<semaphore_mem>>)
    %add3A_186 = arith.constant 12 : i32
    %add3A_187 = arith.addi %add3A_3, %add3A_186 : i32
    %mul3A_188 = arith.constant 80 : i32
    %mul3A_189 = arith.muli %add3A_187, %mul3A_188 : i32
    %dma_start3A_190 = arith.constant 12 : i32
    %dma_start3A_191 = arith.constant 0 : i32
    %dma_start3A_192 = arith.constant 0 : i32
    %dma_start3A_193 = tpu.memref_slice %arg5[%dma_start3A_190, %dma_start3A_191, %dma_start3A_192] : memref<15x1x80xi32, #tpu.memory_space<vmem>> -> memref<1x1x80xi32, #tpu.memory_space<vmem>>
    %dma_start3A_194 = tpu.memref_squeeze %dma_start3A_193 : memref<1x1x80xi32, #tpu.memory_space<vmem>> -> memref<80xi32, #tpu.memory_space<vmem>>
    %dma_start3A_195 = tpu.memref_slice %arg3[%mul3A_189] : memref<50000xi32, #tpu.memory_space<hbm>> -> memref<80xi32, #tpu.memory_space<hbm>>
    %dma_start3A_196 = arith.constant 0 : i32
    %dma_start3A_197 = tpu.memref_slice %arg5[%dma_start3A_190, %dma_start3A_191, %dma_start3A_196] : memref<15x1x80xi32, #tpu.memory_space<vmem>> -> memref<1x1x80xi32, #tpu.memory_space<vmem>>
    %dma_start3A_198 = tpu.memref_squeeze %dma_start3A_197 : memref<1x1x80xi32, #tpu.memory_space<vmem>> -> memref<80xi32, #tpu.memory_space<vmem>>
    %dma_start3A_199 = tpu.memref_slice %arg3[%mul3A_189] : memref<50000xi32, #tpu.memory_space<hbm>> -> memref<80xi32, #tpu.memory_space<hbm>>
    tpu.enqueue_dma source(%dma_start3A_199 : memref<80xi32, #tpu.memory_space<hbm>>) target(%dma_start3A_198 : memref<80xi32, #tpu.memory_space<vmem>>) target_semaphore(%arg13 : memref<!tpu.dma_semaphore, #tpu.memory_space<semaphore_mem>>)
    %add3A_200 = arith.constant 13 : i32
    %add3A_201 = arith.addi %add3A_3, %add3A_200 : i32
    %mul3A_202 = arith.constant 80 : i32
    %mul3A_203 = arith.muli %add3A_201, %mul3A_202 : i32
    %dma_start3A_204 = arith.constant 13 : i32
    %dma_start3A_205 = arith.constant 0 : i32
    %dma_start3A_206 = arith.constant 0 : i32
    %dma_start3A_207 = tpu.memref_slice %arg5[%dma_start3A_204, %dma_start3A_205, %dma_start3A_206] : memref<15x1x80xi32, #tpu.memory_space<vmem>> -> memref<1x1x80xi32, #tpu.memory_space<vmem>>
    %dma_start3A_208 = tpu.memref_squeeze %dma_start3A_207 : memref<1x1x80xi32, #tpu.memory_space<vmem>> -> memref<80xi32, #tpu.memory_space<vmem>>
    %dma_start3A_209 = tpu.memref_slice %arg3[%mul3A_203] : memref<50000xi32, #tpu.memory_space<hbm>> -> memref<80xi32, #tpu.memory_space<hbm>>
    %dma_start3A_210 = arith.constant 0 : i32
    %dma_start3A_211 = tpu.memref_slice %arg5[%dma_start3A_204, %dma_start3A_205, %dma_start3A_210] : memref<15x1x80xi32, #tpu.memory_space<vmem>> -> memref<1x1x80xi32, #tpu.memory_space<vmem>>
    %dma_start3A_212 = tpu.memref_squeeze %dma_start3A_211 : memref<1x1x80xi32, #tpu.memory_space<vmem>> -> memref<80xi32, #tpu.memory_space<vmem>>
    %dma_start3A_213 = tpu.memref_slice %arg3[%mul3A_203] : memref<50000xi32, #tpu.memory_space<hbm>> -> memref<80xi32, #tpu.memory_space<hbm>>
    tpu.enqueue_dma source(%dma_start3A_213 : memref<80xi32, #tpu.memory_space<hbm>>) target(%dma_start3A_212 : memref<80xi32, #tpu.memory_space<vmem>>) target_semaphore(%arg13 : memref<!tpu.dma_semaphore, #tpu.memory_space<semaphore_mem>>)
    %add3A_214 = arith.constant 14 : i32
    %add3A_215 = arith.addi %add3A_3, %add3A_214 : i32
    %mul3A_216 = arith.constant 80 : i32
    %mul3A_217 = arith.muli %add3A_215, %mul3A_216 : i32
    %dma_start3A_218 = arith.constant 14 : i32
    %dma_start3A_219 = arith.constant 0 : i32
    %dma_start3A_220 = arith.constant 0 : i32
    %dma_start3A_221 = tpu.memref_slice %arg5[%dma_start3A_218, %dma_start3A_219, %dma_start3A_220] : memref<15x1x80xi32, #tpu.memory_space<vmem>> -> memref<1x1x80xi32, #tpu.memory_space<vmem>>
    %dma_start3A_222 = tpu.memref_squeeze %dma_start3A_221 : memref<1x1x80xi32, #tpu.memory_space<vmem>> -> memref<80xi32, #tpu.memory_space<vmem>>
    %dma_start3A_223 = tpu.memref_slice %arg3[%mul3A_217] : memref<50000xi32, #tpu.memory_space<hbm>> -> memref<80xi32, #tpu.memory_space<hbm>>
    %dma_start3A_224 = arith.constant 0 : i32
    %dma_start3A_225 = tpu.memref_slice %arg5[%dma_start3A_218, %dma_start3A_219, %dma_start3A_224] : memref<15x1x80xi32, #tpu.memory_space<vmem>> -> memref<1x1x80xi32, #tpu.memory_space<vmem>>
    %dma_start3A_226 = tpu.memref_squeeze %dma_start3A_225 : memref<1x1x80xi32, #tpu.memory_space<vmem>> -> memref<80xi32, #tpu.memory_space<vmem>>
    %dma_start3A_227 = tpu.memref_slice %arg3[%mul3A_217] : memref<50000xi32, #tpu.memory_space<hbm>> -> memref<80xi32, #tpu.memory_space<hbm>>
    tpu.enqueue_dma source(%dma_start3A_227 : memref<80xi32, #tpu.memory_space<hbm>>) target(%dma_start3A_226 : memref<80xi32, #tpu.memory_space<vmem>>) target_semaphore(%arg13 : memref<!tpu.dma_semaphore, #tpu.memory_space<semaphore_mem>>)
    %broadcast_in_dim3A = arith.constant 0.000000e+00 : f32
    %broadcast_in_dim3A_228 = vector.broadcast %broadcast_in_dim3A : f32 to vector<16xf32>
    %swap3A = arith.constant 0 : i32
    %swap3A_229 = arith.index_cast %swap3A : i32 to index
    %swap3A_230 = arith.constant 0 : index
    %swap3A_231 = tpu.vector_load %arg7[%swap3A_229, %swap3A_230] {strides = array<i32>} : memref<8x128xf32, #tpu.memory_space<vmem>>, vector<1x16xf32>,
    %swap3A_232 = vector.shape_cast %swap3A_231 : vector<1x16xf32> to vector<16xf32>
    %swap3A_233 = vector.shape_cast %broadcast_in_dim3A_228 : vector<16xf32> to vector<1x16xf32>
    tpu.vector_store %arg7[%swap3A_229, %swap3A_230], %swap3A_233 {strides = array<i32>} : memref<8x128xf32, #tpu.memory_space<vmem>>, vector<1x16xf32>,
    %swap3A_234 = arith.constant 0 : i32
    %swap3A_235 = arith.index_cast %swap3A_234 : i32 to index
    %swap3A_236 = arith.constant 16 : index
    %swap3A_237 = tpu.vector_load %arg7[%swap3A_235, %swap3A_236] {strides = array<i32>} : memref<8x128xf32, #tpu.memory_space<vmem>>, vector<1x16xf32>,
    %swap3A_238 = vector.shape_cast %swap3A_237 : vector<1x16xf32> to vector<16xf32>
    %swap3A_239 = vector.shape_cast %broadcast_in_dim3A_228 : vector<16xf32> to vector<1x16xf32>
    tpu.vector_store %arg7[%swap3A_235, %swap3A_236], %swap3A_239 {strides = array<i32>} : memref<8x128xf32, #tpu.memory_space<vmem>>, vector<1x16xf32>,
    %swap3A_240 = arith.constant 0 : i32
    %swap3A_241 = arith.index_cast %swap3A_240 : i32 to index
    %swap3A_242 = arith.constant 32 : index
    %swap3A_243 = tpu.vector_load %arg7[%swap3A_241, %swap3A_242] {strides = array<i32>} : memref<8x128xf32, #tpu.memory_space<vmem>>, vector<1x16xf32>,
    %swap3A_244 = vector.shape_cast %swap3A_243 : vector<1x16xf32> to vector<16xf32>
    %swap3A_245 = vector.shape_cast %broadcast_in_dim3A_228 : vector<16xf32> to vector<1x16xf32>
    tpu.vector_store %arg7[%swap3A_241, %swap3A_242], %swap3A_245 {strides = array<i32>} : memref<8x128xf32, #tpu.memory_space<vmem>>, vector<1x16xf32>,
    %swap3A_246 = arith.constant 0 : i32
    %swap3A_247 = arith.index_cast %swap3A_246 : i32 to index
    %swap3A_248 = arith.constant 48 : index
    %swap3A_249 = tpu.vector_load %arg7[%swap3A_247, %swap3A_248] {strides = array<i32>} : memref<8x128xf32, #tpu.memory_space<vmem>>, vector<1x16xf32>,
    %swap3A_250 = vector.shape_cast %swap3A_249 : vector<1x16xf32> to vector<16xf32>
    %swap3A_251 = vector.shape_cast %broadcast_in_dim3A_228 : vector<16xf32> to vector<1x16xf32>
    tpu.vector_store %arg7[%swap3A_247, %swap3A_248], %swap3A_251 {strides = array<i32>} : memref<8x128xf32, #tpu.memory_space<vmem>>, vector<1x16xf32>,
    %swap3A_252 = arith.constant 0 : i32
    %swap3A_253 = arith.index_cast %swap3A_252 : i32 to index
    %swap3A_254 = arith.constant 64 : index
    %swap3A_255 = tpu.vector_load %arg7[%swap3A_253, %swap3A_254] {strides = array<i32>} : memref<8x128xf32, #tpu.memory_space<vmem>>, vector<1x16xf32>,
    %swap3A_256 = vector.shape_cast %swap3A_255 : vector<1x16xf32> to vector<16xf32>
    %swap3A_257 = vector.shape_cast %broadcast_in_dim3A_228 : vector<16xf32> to vector<1x16xf32>
    tpu.vector_store %arg7[%swap3A_253, %swap3A_254], %swap3A_257 {strides = array<i32>} : memref<8x128xf32, #tpu.memory_space<vmem>>, vector<1x16xf32>,
    %swap3A_258 = arith.constant 0 : i32
    %swap3A_259 = arith.index_cast %swap3A_258 : i32 to index
    %swap3A_260 = arith.constant 80 : index
    %swap3A_261 = tpu.vector_load %arg7[%swap3A_259, %swap3A_260] {strides = array<i32>} : memref<8x128xf32, #tpu.memory_space<vmem>>, vector<1x16xf32>,
    %swap3A_262 = vector.shape_cast %swap3A_261 : vector<1x16xf32> to vector<16xf32>
    %swap3A_263 = vector.shape_cast %broadcast_in_dim3A_228 : vector<16xf32> to vector<1x16xf32>
    tpu.vector_store %arg7[%swap3A_259, %swap3A_260], %swap3A_263 {strides = array<i32>} : memref<8x128xf32, #tpu.memory_space<vmem>>, vector<1x16xf32>,
    %swap3A_264 = arith.constant 0 : i32
    %swap3A_265 = arith.index_cast %swap3A_264 : i32 to index
    %swap3A_266 = arith.constant 96 : index
    %swap3A_267 = tpu.vector_load %arg7[%swap3A_265, %swap3A_266] {strides = array<i32>} : memref<8x128xf32, #tpu.memory_space<vmem>>, vector<1x16xf32>,
    %swap3A_268 = vector.shape_cast %swap3A_267 : vector<1x16xf32> to vector<16xf32>
    %swap3A_269 = vector.shape_cast %broadcast_in_dim3A_228 : vector<16xf32> to vector<1x16xf32>
    tpu.vector_store %arg7[%swap3A_265, %swap3A_266], %swap3A_269 {strides = array<i32>} : memref<8x128xf32, #tpu.memory_space<vmem>>, vector<1x16xf32>,
    %swap3A_270 = arith.constant 0 : i32
    %swap3A_271 = arith.index_cast %swap3A_270 : i32 to index
    %swap3A_272 = arith.constant 112 : index
    %swap3A_273 = tpu.vector_load %arg7[%swap3A_271, %swap3A_272] {strides = array<i32>} : memref<8x128xf32, #tpu.memory_space<vmem>>, vector<1x16xf32>,
    %swap3A_274 = vector.shape_cast %swap3A_273 : vector<1x16xf32> to vector<16xf32>
    %swap3A_275 = vector.shape_cast %broadcast_in_dim3A_228 : vector<16xf32> to vector<1x16xf32>
    tpu.vector_store %arg7[%swap3A_271, %swap3A_272], %swap3A_275 {strides = array<i32>} : memref<8x128xf32, #tpu.memory_space<vmem>>, vector<1x16xf32>,
    %swap3A_276 = arith.constant 1 : i32
    %swap3A_277 = arith.index_cast %swap3A_276 : i32 to index
    %swap3A_278 = arith.constant 0 : index
    %swap3A_279 = tpu.vector_load %arg7[%swap3A_277, %swap3A_278] {strides = array<i32>} : memref<8x128xf32, #tpu.memory_space<vmem>>, vector<1x16xf32>,
    %swap3A_280 = vector.shape_cast %swap3A_279 : vector<1x16xf32> to vector<16xf32>
    %swap3A_281 = vector.shape_cast %broadcast_in_dim3A_228 : vector<16xf32> to vector<1x16xf32>
    tpu.vector_store %arg7[%swap3A_277, %swap3A_278], %swap3A_281 {strides = array<i32>} : memref<8x128xf32, #tpu.memory_space<vmem>>, vector<1x16xf32>,
    %swap3A_282 = arith.constant 1 : i32
    %swap3A_283 = arith.index_cast %swap3A_282 : i32 to index
    %swap3A_284 = arith.constant 16 : index
    %swap3A_285 = tpu.vector_load %arg7[%swap3A_283, %swap3A_284] {strides = array<i32>} : memref<8x128xf32, #tpu.memory_space<vmem>>, vector<1x16xf32>,
    %swap3A_286 = vector.shape_cast %swap3A_285 : vector<1x16xf32> to vector<16xf32>
    %swap3A_287 = vector.shape_cast %broadcast_in_dim3A_228 : vector<16xf32> to vector<1x16xf32>
    tpu.vector_store %arg7[%swap3A_283, %swap3A_284], %swap3A_287 {strides = array<i32>} : memref<8x128xf32, #tpu.memory_space<vmem>>, vector<1x16xf32>,
    %swap3A_288 = arith.constant 1 : i32
    %swap3A_289 = arith.index_cast %swap3A_288 : i32 to index
    %swap3A_290 = arith.constant 32 : index
    %swap3A_291 = tpu.vector_load %arg7[%swap3A_289, %swap3A_290] {strides = array<i32>} : memref<8x128xf32, #tpu.memory_space<vmem>>, vector<1x16xf32>,
    %swap3A_292 = vector.shape_cast %swap3A_291 : vector<1x16xf32> to vector<16xf32>
    %swap3A_293 = vector.shape_cast %broadcast_in_dim3A_228 : vector<16xf32> to vector<1x16xf32>
    tpu.vector_store %arg7[%swap3A_289, %swap3A_290], %swap3A_293 {strides = array<i32>} : memref<8x128xf32, #tpu.memory_space<vmem>>, vector<1x16xf32>,
    %swap3A_294 = arith.constant 1 : i32
    %swap3A_295 = arith.index_cast %swap3A_294 : i32 to index
    %swap3A_296 = arith.constant 48 : index
    %swap3A_297 = tpu.vector_load %arg7[%swap3A_295, %swap3A_296] {strides = array<i32>} : memref<8x128xf32, #tpu.memory_space<vmem>>, vector<1x16xf32>,
    %swap3A_298 = vector.shape_cast %swap3A_297 : vector<1x16xf32> to vector<16xf32>
    %swap3A_299 = vector.shape_cast %broadcast_in_dim3A_228 : vector<16xf32> to vector<1x16xf32>
    tpu.vector_store %arg7[%swap3A_295, %swap3A_296], %swap3A_299 {strides = array<i32>} : memref<8x128xf32, #tpu.memory_space<vmem>>, vector<1x16xf32>,
    %swap3A_300 = arith.constant 1 : i32
    %swap3A_301 = arith.index_cast %swap3A_300 : i32 to index
    %swap3A_302 = arith.constant 64 : index
    %swap3A_303 = tpu.vector_load %arg7[%swap3A_301, %swap3A_302] {strides = array<i32>} : memref<8x128xf32, #tpu.memory_space<vmem>>, vector<1x16xf32>,
    %swap3A_304 = vector.shape_cast %swap3A_303 : vector<1x16xf32> to vector<16xf32>
    %swap3A_305 = vector.shape_cast %broadcast_in_dim3A_228 : vector<16xf32> to vector<1x16xf32>
    tpu.vector_store %arg7[%swap3A_301, %swap3A_302], %swap3A_305 {strides = array<i32>} : memref<8x128xf32, #tpu.memory_space<vmem>>, vector<1x16xf32>,
    %swap3A_306 = arith.constant 1 : i32
    %swap3A_307 = arith.index_cast %swap3A_306 : i32 to index
    %swap3A_308 = arith.constant 80 : index
    %swap3A_309 = tpu.vector_load %arg7[%swap3A_307, %swap3A_308] {strides = array<i32>} : memref<8x128xf32, #tpu.memory_space<vmem>>, vector<1x16xf32>,
    %swap3A_310 = vector.shape_cast %swap3A_309 : vector<1x16xf32> to vector<16xf32>
    %swap3A_311 = vector.shape_cast %broadcast_in_dim3A_228 : vector<16xf32> to vector<1x16xf32>
    tpu.vector_store %arg7[%swap3A_307, %swap3A_308], %swap3A_311 {strides = array<i32>} : memref<8x128xf32, #tpu.memory_space<vmem>>, vector<1x16xf32>,
    %swap3A_312 = arith.constant 1 : i32
    %swap3A_313 = arith.index_cast %swap3A_312 : i32 to index
    %swap3A_314 = arith.constant 96 : index
    %swap3A_315 = tpu.vector_load %arg7[%swap3A_313, %swap3A_314] {strides = array<i32>} : memref<8x128xf32, #tpu.memory_space<vmem>>, vector<1x16xf32>,
    %swap3A_316 = vector.shape_cast %swap3A_315 : vector<1x16xf32> to vector<16xf32>
    %swap3A_317 = vector.shape_cast %broadcast_in_dim3A_228 : vector<16xf32> to vector<1x16xf32>
    tpu.vector_store %arg7[%swap3A_313, %swap3A_314], %swap3A_317 {strides = array<i32>} : memref<8x128xf32, #tpu.memory_space<vmem>>, vector<1x16xf32>,
    %swap3A_318 = arith.constant 1 : i32
    %swap3A_319 = arith.index_cast %swap3A_318 : i32 to index
    %swap3A_320 = arith.constant 112 : index
    %swap3A_321 = tpu.vector_load %arg7[%swap3A_319, %swap3A_320] {strides = array<i32>} : memref<8x128xf32, #tpu.memory_space<vmem>>, vector<1x16xf32>,
    %swap3A_322 = vector.shape_cast %swap3A_321 : vector<1x16xf32> to vector<16xf32>
    %swap3A_323 = vector.shape_cast %broadcast_in_dim3A_228 : vector<16xf32> to vector<1x16xf32>
    tpu.vector_store %arg7[%swap3A_319, %swap3A_320], %swap3A_323 {strides = array<i32>} : memref<8x128xf32, #tpu.memory_space<vmem>>, vector<1x16xf32>,
    %swap3A_324 = arith.constant 2 : i32
    %swap3A_325 = arith.index_cast %swap3A_324 : i32 to index
    %swap3A_326 = arith.constant 0 : index
    %swap3A_327 = tpu.vector_load %arg7[%swap3A_325, %swap3A_326] {strides = array<i32>} : memref<8x128xf32, #tpu.memory_space<vmem>>, vector<1x16xf32>,
    %swap3A_328 = vector.shape_cast %swap3A_327 : vector<1x16xf32> to vector<16xf32>
    %swap3A_329 = vector.shape_cast %broadcast_in_dim3A_228 : vector<16xf32> to vector<1x16xf32>
    tpu.vector_store %arg7[%swap3A_325, %swap3A_326], %swap3A_329 {strides = array<i32>} : memref<8x128xf32, #tpu.memory_space<vmem>>, vector<1x16xf32>,
    %swap3A_330 = arith.constant 2 : i32
    %swap3A_331 = arith.index_cast %swap3A_330 : i32 to index
    %swap3A_332 = arith.constant 16 : index
    %swap3A_333 = tpu.vector_load %arg7[%swap3A_331, %swap3A_332] {strides = array<i32>} : memref<8x128xf32, #tpu.memory_space<vmem>>, vector<1x16xf32>,
    %swap3A_334 = vector.shape_cast %swap3A_333 : vector<1x16xf32> to vector<16xf32>
    %swap3A_335 = vector.shape_cast %broadcast_in_dim3A_228 : vector<16xf32> to vector<1x16xf32>
    tpu.vector_store %arg7[%swap3A_331, %swap3A_332], %swap3A_335 {strides = array<i32>} : memref<8x128xf32, #tpu.memory_space<vmem>>, vector<1x16xf32>,
    %swap3A_336 = arith.constant 2 : i32
    %swap3A_337 = arith.index_cast %swap3A_336 : i32 to index
    %swap3A_338 = arith.constant 32 : index
    %swap3A_339 = tpu.vector_load %arg7[%swap3A_337, %swap3A_338] {strides = array<i32>} : memref<8x128xf32, #tpu.memory_space<vmem>>, vector<1x16xf32>,
    %swap3A_340 = vector.shape_cast %swap3A_339 : vector<1x16xf32> to vector<16xf32>
    %swap3A_341 = vector.shape_cast %broadcast_in_dim3A_228 : vector<16xf32> to vector<1x16xf32>
    tpu.vector_store %arg7[%swap3A_337, %swap3A_338], %swap3A_341 {strides = array<i32>} : memref<8x128xf32, #tpu.memory_space<vmem>>, vector<1x16xf32>,
    %swap3A_342 = arith.constant 2 : i32
    %swap3A_343 = arith.index_cast %swap3A_342 : i32 to index
    %swap3A_344 = arith.constant 48 : index
    %swap3A_345 = tpu.vector_load %arg7[%swap3A_343, %swap3A_344] {strides = array<i32>} : memref<8x128xf32, #tpu.memory_space<vmem>>, vector<1x16xf32>,
    %swap3A_346 = vector.shape_cast %swap3A_345 : vector<1x16xf32> to vector<16xf32>
    %swap3A_347 = vector.shape_cast %broadcast_in_dim3A_228 : vector<16xf32> to vector<1x16xf32>
    tpu.vector_store %arg7[%swap3A_343, %swap3A_344], %swap3A_347 {strides = array<i32>} : memref<8x128xf32, #tpu.memory_space<vmem>>, vector<1x16xf32>,
    %swap3A_348 = arith.constant 2 : i32
    %swap3A_349 = arith.index_cast %swap3A_348 : i32 to index
    %swap3A_350 = arith.constant 64 : index
    %swap3A_351 = tpu.vector_load %arg7[%swap3A_349, %swap3A_350] {strides = array<i32>} : memref<8x128xf32, #tpu.memory_space<vmem>>, vector<1x16xf32>,
    %swap3A_352 = vector.shape_cast %swap3A_351 : vector<1x16xf32> to vector<16xf32>
    %swap3A_353 = vector.shape_cast %broadcast_in_dim3A_228 : vector<16xf32> to vector<1x16xf32>
    tpu.vector_store %arg7[%swap3A_349, %swap3A_350], %swap3A_353 {strides = array<i32>} : memref<8x128xf32, #tpu.memory_space<vmem>>, vector<1x16xf32>,
    %swap3A_354 = arith.constant 2 : i32
    %swap3A_355 = arith.index_cast %swap3A_354 : i32 to index
    %swap3A_356 = arith.constant 80 : index
    %swap3A_357 = tpu.vector_load %arg7[%swap3A_355, %swap3A_356] {strides = array<i32>} : memref<8x128xf32, #tpu.memory_space<vmem>>, vector<1x16xf32>,
    %swap3A_358 = vector.shape_cast %swap3A_357 : vector<1x16xf32> to vector<16xf32>
    %swap3A_359 = vector.shape_cast %broadcast_in_dim3A_228 : vector<16xf32> to vector<1x16xf32>
    tpu.vector_store %arg7[%swap3A_355, %swap3A_356], %swap3A_359 {strides = array<i32>} : memref<8x128xf32, #tpu.memory_space<vmem>>, vector<1x16xf32>,
    %swap3A_360 = arith.constant 2 : i32
    %swap3A_361 = arith.index_cast %swap3A_360 : i32 to index
    %swap3A_362 = arith.constant 96 : index
    %swap3A_363 = tpu.vector_load %arg7[%swap3A_361, %swap3A_362] {strides = array<i32>} : memref<8x128xf32, #tpu.memory_space<vmem>>, vector<1x16xf32>,
    %swap3A_364 = vector.shape_cast %swap3A_363 : vector<1x16xf32> to vector<16xf32>
    %swap3A_365 = vector.shape_cast %broadcast_in_dim3A_228 : vector<16xf32> to vector<1x16xf32>
    tpu.vector_store %arg7[%swap3A_361, %swap3A_362], %swap3A_365 {strides = array<i32>} : memref<8x128xf32, #tpu.memory_space<vmem>>, vector<1x16xf32>,
    %swap3A_366 = arith.constant 2 : i32
    %swap3A_367 = arith.index_cast %swap3A_366 : i32 to index
    %swap3A_368 = arith.constant 112 : index
    %swap3A_369 = tpu.vector_load %arg7[%swap3A_367, %swap3A_368] {strides = array<i32>} : memref<8x128xf32, #tpu.memory_space<vmem>>, vector<1x16xf32>,
    %swap3A_370 = vector.shape_cast %swap3A_369 : vector<1x16xf32> to vector<16xf32>
    %swap3A_371 = vector.shape_cast %broadcast_in_dim3A_228 : vector<16xf32> to vector<1x16xf32>
    tpu.vector_store %arg7[%swap3A_367, %swap3A_368], %swap3A_371 {strides = array<i32>} : memref<8x128xf32, #tpu.memory_space<vmem>>, vector<1x16xf32>,
    %swap3A_372 = arith.constant 3 : i32
    %swap3A_373 = arith.index_cast %swap3A_372 : i32 to index
    %swap3A_374 = arith.constant 0 : index
    %swap3A_375 = tpu.vector_load %arg7[%swap3A_373, %swap3A_374] {strides = array<i32>} : memref<8x128xf32, #tpu.memory_space<vmem>>, vector<1x16xf32>,
    %swap3A_376 = vector.shape_cast %swap3A_375 : vector<1x16xf32> to vector<16xf32>
    %swap3A_377 = vector.shape_cast %broadcast_in_dim3A_228 : vector<16xf32> to vector<1x16xf32>
    tpu.vector_store %arg7[%swap3A_373, %swap3A_374], %swap3A_377 {strides = array<i32>} : memref<8x128xf32, #tpu.memory_space<vmem>>, vector<1x16xf32>,
    %swap3A_378 = arith.constant 3 : i32
    %swap3A_379 = arith.index_cast %swap3A_378 : i32 to index
    %swap3A_380 = arith.constant 16 : index
    %swap3A_381 = tpu.vector_load %arg7[%swap3A_379, %swap3A_380] {strides = array<i32>} : memref<8x128xf32, #tpu.memory_space<vmem>>, vector<1x16xf32>,
    %swap3A_382 = vector.shape_cast %swap3A_381 : vector<1x16xf32> to vector<16xf32>
    %swap3A_383 = vector.shape_cast %broadcast_in_dim3A_228 : vector<16xf32> to vector<1x16xf32>
    tpu.vector_store %arg7[%swap3A_379, %swap3A_380], %swap3A_383 {strides = array<i32>} : memref<8x128xf32, #tpu.memory_space<vmem>>, vector<1x16xf32>,
    %swap3A_384 = arith.constant 3 : i32
    %swap3A_385 = arith.index_cast %swap3A_384 : i32 to index
    %swap3A_386 = arith.constant 32 : index
    %swap3A_387 = tpu.vector_load %arg7[%swap3A_385, %swap3A_386] {strides = array<i32>} : memref<8x128xf32, #tpu.memory_space<vmem>>, vector<1x16xf32>,
    %swap3A_388 = vector.shape_cast %swap3A_387 : vector<1x16xf32> to vector<16xf32>
    %swap3A_389 = vector.shape_cast %broadcast_in_dim3A_228 : vector<16xf32> to vector<1x16xf32>
    tpu.vector_store %arg7[%swap3A_385, %swap3A_386], %swap3A_389 {strides = array<i32>} : memref<8x128xf32, #tpu.memory_space<vmem>>, vector<1x16xf32>,
    %swap3A_390 = arith.constant 3 : i32
    %swap3A_391 = arith.index_cast %swap3A_390 : i32 to index
    %swap3A_392 = arith.constant 48 : index
    %swap3A_393 = tpu.vector_load %arg7[%swap3A_391, %swap3A_392] {strides = array<i32>} : memref<8x128xf32, #tpu.memory_space<vmem>>, vector<1x16xf32>,
    %swap3A_394 = vector.shape_cast %swap3A_393 : vector<1x16xf32> to vector<16xf32>
    %swap3A_395 = vector.shape_cast %broadcast_in_dim3A_228 : vector<16xf32> to vector<1x16xf32>
    tpu.vector_store %arg7[%swap3A_391, %swap3A_392], %swap3A_395 {strides = array<i32>} : memref<8x128xf32, #tpu.memory_space<vmem>>, vector<1x16xf32>,
    %swap3A_396 = arith.constant 3 : i32
    %swap3A_397 = arith.index_cast %swap3A_396 : i32 to index
    %swap3A_398 = arith.constant 64 : index
    %swap3A_399 = tpu.vector_load %arg7[%swap3A_397, %swap3A_398] {strides = array<i32>} : memref<8x128xf32, #tpu.memory_space<vmem>>, vector<1x16xf32>,
    %swap3A_400 = vector.shape_cast %swap3A_399 : vector<1x16xf32> to vector<16xf32>
    %swap3A_401 = vector.shape_cast %broadcast_in_dim3A_228 : vector<16xf32> to vector<1x16xf32>
    tpu.vector_store %arg7[%swap3A_397, %swap3A_398], %swap3A_401 {strides = array<i32>} : memref<8x128xf32, #tpu.memory_space<vmem>>, vector<1x16xf32>,
    %swap3A_402 = arith.constant 3 : i32
    %swap3A_403 = arith.index_cast %swap3A_402 : i32 to index
    %swap3A_404 = arith.constant 80 : index
    %swap3A_405 = tpu.vector_load %arg7[%swap3A_403, %swap3A_404] {strides = array<i32>} : memref<8x128xf32, #tpu.memory_space<vmem>>, vector<1x16xf32>,
    %swap3A_406 = vector.shape_cast %swap3A_405 : vector<1x16xf32> to vector<16xf32>
    %swap3A_407 = vector.shape_cast %broadcast_in_dim3A_228 : vector<16xf32> to vector<1x16xf32>
    tpu.vector_store %arg7[%swap3A_403, %swap3A_404], %swap3A_407 {strides = array<i32>} : memref<8x128xf32, #tpu.memory_space<vmem>>, vector<1x16xf32>,
    %swap3A_408 = arith.constant 3 : i32
    %swap3A_409 = arith.index_cast %swap3A_408 : i32 to index
    %swap3A_410 = arith.constant 96 : index
    %swap3A_411 = tpu.vector_load %arg7[%swap3A_409, %swap3A_410] {strides = array<i32>} : memref<8x128xf32, #tpu.memory_space<vmem>>, vector<1x16xf32>,
    %swap3A_412 = vector.shape_cast %swap3A_411 : vector<1x16xf32> to vector<16xf32>
    %swap3A_413 = vector.shape_cast %broadcast_in_dim3A_228 : vector<16xf32> to vector<1x16xf32>
    tpu.vector_store %arg7[%swap3A_409, %swap3A_410], %swap3A_413 {strides = array<i32>} : memref<8x128xf32, #tpu.memory_space<vmem>>, vector<1x16xf32>,
    %swap3A_414 = arith.constant 3 : i32
    %swap3A_415 = arith.index_cast %swap3A_414 : i32 to index
    %swap3A_416 = arith.constant 112 : index
    %swap3A_417 = tpu.vector_load %arg7[%swap3A_415, %swap3A_416] {strides = array<i32>} : memref<8x128xf32, #tpu.memory_space<vmem>>, vector<1x16xf32>,
    %swap3A_418 = vector.shape_cast %swap3A_417 : vector<1x16xf32> to vector<16xf32>
    %swap3A_419 = vector.shape_cast %broadcast_in_dim3A_228 : vector<16xf32> to vector<1x16xf32>
    tpu.vector_store %arg7[%swap3A_415, %swap3A_416], %swap3A_419 {strides = array<i32>} : memref<8x128xf32, #tpu.memory_space<vmem>>, vector<1x16xf32>,
    %swap3A_420 = arith.constant 4 : i32
    %swap3A_421 = arith.index_cast %swap3A_420 : i32 to index
    %swap3A_422 = arith.constant 0 : index
    %swap3A_423 = tpu.vector_load %arg7[%swap3A_421, %swap3A_422] {strides = array<i32>} : memref<8x128xf32, #tpu.memory_space<vmem>>, vector<1x16xf32>,
    %swap3A_424 = vector.shape_cast %swap3A_423 : vector<1x16xf32> to vector<16xf32>
    %swap3A_425 = vector.shape_cast %broadcast_in_dim3A_228 : vector<16xf32> to vector<1x16xf32>
    tpu.vector_store %arg7[%swap3A_421, %swap3A_422], %swap3A_425 {strides = array<i32>} : memref<8x128xf32, #tpu.memory_space<vmem>>, vector<1x16xf32>,
    %swap3A_426 = arith.constant 4 : i32
    %swap3A_427 = arith.index_cast %swap3A_426 : i32 to index
    %swap3A_428 = arith.constant 16 : index
    %swap3A_429 = tpu.vector_load %arg7[%swap3A_427, %swap3A_428] {strides = array<i32>} : memref<8x128xf32, #tpu.memory_space<vmem>>, vector<1x16xf32>,
    %swap3A_430 = vector.shape_cast %swap3A_429 : vector<1x16xf32> to vector<16xf32>
    %swap3A_431 = vector.shape_cast %broadcast_in_dim3A_228 : vector<16xf32> to vector<1x16xf32>
    tpu.vector_store %arg7[%swap3A_427, %swap3A_428], %swap3A_431 {strides = array<i32>} : memref<8x128xf32, #tpu.memory_space<vmem>>, vector<1x16xf32>,
    %swap3A_432 = arith.constant 4 : i32
    %swap3A_433 = arith.index_cast %swap3A_432 : i32 to index
    %swap3A_434 = arith.constant 32 : index
    %swap3A_435 = tpu.vector_load %arg7[%swap3A_433, %swap3A_434] {strides = array<i32>} : memref<8x128xf32, #tpu.memory_space<vmem>>, vector<1x16xf32>,
    %swap3A_436 = vector.shape_cast %swap3A_435 : vector<1x16xf32> to vector<16xf32>
    %swap3A_437 = vector.shape_cast %broadcast_in_dim3A_228 : vector<16xf32> to vector<1x16xf32>
    tpu.vector_store %arg7[%swap3A_433, %swap3A_434], %swap3A_437 {strides = array<i32>} : memref<8x128xf32, #tpu.memory_space<vmem>>, vector<1x16xf32>,
    %swap3A_438 = arith.constant 4 : i32
    %swap3A_439 = arith.index_cast %swap3A_438 : i32 to index
    %swap3A_440 = arith.constant 48 : index
    %swap3A_441 = tpu.vector_load %arg7[%swap3A_439, %swap3A_440] {strides = array<i32>} : memref<8x128xf32, #tpu.memory_space<vmem>>, vector<1x16xf32>,
    %swap3A_442 = vector.shape_cast %swap3A_441 : vector<1x16xf32> to vector<16xf32>
    %swap3A_443 = vector.shape_cast %broadcast_in_dim3A_228 : vector<16xf32> to vector<1x16xf32>
    tpu.vector_store %arg7[%swap3A_439, %swap3A_440], %swap3A_443 {strides = array<i32>} : memref<8x128xf32, #tpu.memory_space<vmem>>, vector<1x16xf32>,
    %swap3A_444 = arith.constant 4 : i32
    %swap3A_445 = arith.index_cast %swap3A_444 : i32 to index
    %swap3A_446 = arith.constant 64 : index
    %swap3A_447 = tpu.vector_load %arg7[%swap3A_445, %swap3A_446] {strides = array<i32>} : memref<8x128xf32, #tpu.memory_space<vmem>>, vector<1x16xf32>,
    %swap3A_448 = vector.shape_cast %swap3A_447 : vector<1x16xf32> to vector<16xf32>
    %swap3A_449 = vector.shape_cast %broadcast_in_dim3A_228 : vector<16xf32> to vector<1x16xf32>
    tpu.vector_store %arg7[%swap3A_445, %swap3A_446], %swap3A_449 {strides = array<i32>} : memref<8x128xf32, #tpu.memory_space<vmem>>, vector<1x16xf32>,
    %swap3A_450 = arith.constant 4 : i32
    %swap3A_451 = arith.index_cast %swap3A_450 : i32 to index
    %swap3A_452 = arith.constant 80 : index
    %swap3A_453 = tpu.vector_load %arg7[%swap3A_451, %swap3A_452] {strides = array<i32>} : memref<8x128xf32, #tpu.memory_space<vmem>>, vector<1x16xf32>,
    %swap3A_454 = vector.shape_cast %swap3A_453 : vector<1x16xf32> to vector<16xf32>
    %swap3A_455 = vector.shape_cast %broadcast_in_dim3A_228 : vector<16xf32> to vector<1x16xf32>
    tpu.vector_store %arg7[%swap3A_451, %swap3A_452], %swap3A_455 {strides = array<i32>} : memref<8x128xf32, #tpu.memory_space<vmem>>, vector<1x16xf32>,
    %swap3A_456 = arith.constant 4 : i32
    %swap3A_457 = arith.index_cast %swap3A_456 : i32 to index
    %swap3A_458 = arith.constant 96 : index
    %swap3A_459 = tpu.vector_load %arg7[%swap3A_457, %swap3A_458] {strides = array<i32>} : memref<8x128xf32, #tpu.memory_space<vmem>>, vector<1x16xf32>,
    %swap3A_460 = vector.shape_cast %swap3A_459 : vector<1x16xf32> to vector<16xf32>
    %swap3A_461 = vector.shape_cast %broadcast_in_dim3A_228 : vector<16xf32> to vector<1x16xf32>
    tpu.vector_store %arg7[%swap3A_457, %swap3A_458], %swap3A_461 {strides = array<i32>} : memref<8x128xf32, #tpu.memory_space<vmem>>, vector<1x16xf32>,
    %swap3A_462 = arith.constant 4 : i32
    %swap3A_463 = arith.index_cast %swap3A_462 : i32 to index
    %swap3A_464 = arith.constant 112 : index
    %swap3A_465 = tpu.vector_load %arg7[%swap3A_463, %swap3A_464] {strides = array<i32>} : memref<8x128xf32, #tpu.memory_space<vmem>>, vector<1x16xf32>,
    %swap3A_466 = vector.shape_cast %swap3A_465 : vector<1x16xf32> to vector<16xf32>
    %swap3A_467 = vector.shape_cast %broadcast_in_dim3A_228 : vector<16xf32> to vector<1x16xf32>
    tpu.vector_store %arg7[%swap3A_463, %swap3A_464], %swap3A_467 {strides = array<i32>} : memref<8x128xf32, #tpu.memory_space<vmem>>, vector<1x16xf32>,
    %swap3A_468 = arith.constant 5 : i32
    %swap3A_469 = arith.index_cast %swap3A_468 : i32 to index
    %swap3A_470 = arith.constant 0 : index
    %swap3A_471 = tpu.vector_load %arg7[%swap3A_469, %swap3A_470] {strides = array<i32>} : memref<8x128xf32, #tpu.memory_space<vmem>>, vector<1x16xf32>,
    %swap3A_472 = vector.shape_cast %swap3A_471 : vector<1x16xf32> to vector<16xf32>
    %swap3A_473 = vector.shape_cast %broadcast_in_dim3A_228 : vector<16xf32> to vector<1x16xf32>
    tpu.vector_store %arg7[%swap3A_469, %swap3A_470], %swap3A_473 {strides = array<i32>} : memref<8x128xf32, #tpu.memory_space<vmem>>, vector<1x16xf32>,
    %swap3A_474 = arith.constant 5 : i32
    %swap3A_475 = arith.index_cast %swap3A_474 : i32 to index
    %swap3A_476 = arith.constant 16 : index
    %swap3A_477 = tpu.vector_load %arg7[%swap3A_475, %swap3A_476] {strides = array<i32>} : memref<8x128xf32, #tpu.memory_space<vmem>>, vector<1x16xf32>,
    %swap3A_478 = vector.shape_cast %swap3A_477 : vector<1x16xf32> to vector<16xf32>
    %swap3A_479 = vector.shape_cast %broadcast_in_dim3A_228 : vector<16xf32> to vector<1x16xf32>
    tpu.vector_store %arg7[%swap3A_475, %swap3A_476], %swap3A_479 {strides = array<i32>} : memref<8x128xf32, #tpu.memory_space<vmem>>, vector<1x16xf32>,
    %swap3A_480 = arith.constant 5 : i32
    %swap3A_481 = arith.index_cast %swap3A_480 : i32 to index
    %swap3A_482 = arith.constant 32 : index
    %swap3A_483 = tpu.vector_load %arg7[%swap3A_481, %swap3A_482] {strides = array<i32>} : memref<8x128xf32, #tpu.memory_space<vmem>>, vector<1x16xf32>,
    %swap3A_484 = vector.shape_cast %swap3A_483 : vector<1x16xf32> to vector<16xf32>
    %swap3A_485 = vector.shape_cast %broadcast_in_dim3A_228 : vector<16xf32> to vector<1x16xf32>
    tpu.vector_store %arg7[%swap3A_481, %swap3A_482], %swap3A_485 {strides = array<i32>} : memref<8x128xf32, #tpu.memory_space<vmem>>, vector<1x16xf32>,
    %swap3A_486 = arith.constant 5 : i32
    %swap3A_487 = arith.index_cast %swap3A_486 : i32 to index
    %swap3A_488 = arith.constant 48 : index
    %swap3A_489 = tpu.vector_load %arg7[%swap3A_487, %swap3A_488] {strides = array<i32>} : memref<8x128xf32, #tpu.memory_space<vmem>>, vector<1x16xf32>,
    %swap3A_490 = vector.shape_cast %swap3A_489 : vector<1x16xf32> to vector<16xf32>
    %swap3A_491 = vector.shape_cast %broadcast_in_dim3A_228 : vector<16xf32> to vector<1x16xf32>
    tpu.vector_store %arg7[%swap3A_487, %swap3A_488], %swap3A_491 {strides = array<i32>} : memref<8x128xf32, #tpu.memory_space<vmem>>, vector<1x16xf32>,
    %swap3A_492 = arith.constant 5 : i32
    %swap3A_493 = arith.index_cast %swap3A_492 : i32 to index
    %swap3A_494 = arith.constant 64 : index
    %swap3A_495 = tpu.vector_load %arg7[%swap3A_493, %swap3A_494] {strides = array<i32>} : memref<8x128xf32, #tpu.memory_space<vmem>>, vector<1x16xf32>,
    %swap3A_496 = vector.shape_cast %swap3A_495 : vector<1x16xf32> to vector<16xf32>
    %swap3A_497 = vector.shape_cast %broadcast_in_dim3A_228 : vector<16xf32> to vector<1x16xf32>
    tpu.vector_store %arg7[%swap3A_493, %swap3A_494], %swap3A_497 {strides = array<i32>} : memref<8x128xf32, #tpu.memory_space<vmem>>, vector<1x16xf32>,
    %swap3A_498 = arith.constant 5 : i32
    %swap3A_499 = arith.index_cast %swap3A_498 : i32 to index
    %swap3A_500 = arith.constant 80 : index
    %swap3A_501 = tpu.vector_load %arg7[%swap3A_499, %swap3A_500] {strides = array<i32>} : memref<8x128xf32, #tpu.memory_space<vmem>>, vector<1x16xf32>,
    %swap3A_502 = vector.shape_cast %swap3A_501 : vector<1x16xf32> to vector<16xf32>
    %swap3A_503 = vector.shape_cast %broadcast_in_dim3A_228 : vector<16xf32> to vector<1x16xf32>
    tpu.vector_store %arg7[%swap3A_499, %swap3A_500], %swap3A_503 {strides = array<i32>} : memref<8x128xf32, #tpu.memory_space<vmem>>, vector<1x16xf32>,
    %swap3A_504 = arith.constant 5 : i32
    %swap3A_505 = arith.index_cast %swap3A_504 : i32 to index
    %swap3A_506 = arith.constant 96 : index
    %swap3A_507 = tpu.vector_load %arg7[%swap3A_505, %swap3A_506] {strides = array<i32>} : memref<8x128xf32, #tpu.memory_space<vmem>>, vector<1x16xf32>,
    %swap3A_508 = vector.shape_cast %swap3A_507 : vector<1x16xf32> to vector<16xf32>
    %swap3A_509 = vector.shape_cast %broadcast_in_dim3A_228 : vector<16xf32> to vector<1x16xf32>
    tpu.vector_store %arg7[%swap3A_505, %swap3A_506], %swap3A_509 {strides = array<i32>} : memref<8x128xf32, #tpu.memory_space<vmem>>, vector<1x16xf32>,
    %swap3A_510 = arith.constant 5 : i32
    %swap3A_511 = arith.index_cast %swap3A_510 : i32 to index
    %swap3A_512 = arith.constant 112 : index
    %swap3A_513 = tpu.vector_load %arg7[%swap3A_511, %swap3A_512] {strides = array<i32>} : memref<8x128xf32, #tpu.memory_space<vmem>>, vector<1x16xf32>,
    %swap3A_514 = vector.shape_cast %swap3A_513 : vector<1x16xf32> to vector<16xf32>
    %swap3A_515 = vector.shape_cast %broadcast_in_dim3A_228 : vector<16xf32> to vector<1x16xf32>
    tpu.vector_store %arg7[%swap3A_511, %swap3A_512], %swap3A_515 {strides = array<i32>} : memref<8x128xf32, #tpu.memory_space<vmem>>, vector<1x16xf32>,
    %swap3A_516 = arith.constant 6 : i32
    %swap3A_517 = arith.index_cast %swap3A_516 : i32 to index
    %swap3A_518 = arith.constant 0 : index
    %swap3A_519 = tpu.vector_load %arg7[%swap3A_517, %swap3A_518] {strides = array<i32>} : memref<8x128xf32, #tpu.memory_space<vmem>>, vector<1x16xf32>,
    %swap3A_520 = vector.shape_cast %swap3A_519 : vector<1x16xf32> to vector<16xf32>
    %swap3A_521 = vector.shape_cast %broadcast_in_dim3A_228 : vector<16xf32> to vector<1x16xf32>
    tpu.vector_store %arg7[%swap3A_517, %swap3A_518], %swap3A_521 {strides = array<i32>} : memref<8x128xf32, #tpu.memory_space<vmem>>, vector<1x16xf32>,
    %swap3A_522 = arith.constant 6 : i32
    %swap3A_523 = arith.index_cast %swap3A_522 : i32 to index
    %swap3A_524 = arith.constant 16 : index
    %swap3A_525 = tpu.vector_load %arg7[%swap3A_523, %swap3A_524] {strides = array<i32>} : memref<8x128xf32, #tpu.memory_space<vmem>>, vector<1x16xf32>,
    %swap3A_526 = vector.shape_cast %swap3A_525 : vector<1x16xf32> to vector<16xf32>
    %swap3A_527 = vector.shape_cast %broadcast_in_dim3A_228 : vector<16xf32> to vector<1x16xf32>
    tpu.vector_store %arg7[%swap3A_523, %swap3A_524], %swap3A_527 {strides = array<i32>} : memref<8x128xf32, #tpu.memory_space<vmem>>, vector<1x16xf32>,
    %swap3A_528 = arith.constant 6 : i32
    %swap3A_529 = arith.index_cast %swap3A_528 : i32 to index
    %swap3A_530 = arith.constant 32 : index
    %swap3A_531 = tpu.vector_load %arg7[%swap3A_529, %swap3A_530] {strides = array<i32>} : memref<8x128xf32, #tpu.memory_space<vmem>>, vector<1x16xf32>,
    %swap3A_532 = vector.shape_cast %swap3A_531 : vector<1x16xf32> to vector<16xf32>
    %swap3A_533 = vector.shape_cast %broadcast_in_dim3A_228 : vector<16xf32> to vector<1x16xf32>
    tpu.vector_store %arg7[%swap3A_529, %swap3A_530], %swap3A_533 {strides = array<i32>} : memref<8x128xf32, #tpu.memory_space<vmem>>, vector<1x16xf32>,
    %swap3A_534 = arith.constant 6 : i32
    %swap3A_535 = arith.index_cast %swap3A_534 : i32 to index
    %swap3A_536 = arith.constant 48 : index
    %swap3A_537 = tpu.vector_load %arg7[%swap3A_535, %swap3A_536] {strides = array<i32>} : memref<8x128xf32, #tpu.memory_space<vmem>>, vector<1x16xf32>,
    %swap3A_538 = vector.shape_cast %swap3A_537 : vector<1x16xf32> to vector<16xf32>
    %swap3A_539 = vector.shape_cast %broadcast_in_dim3A_228 : vector<16xf32> to vector<1x16xf32>
    tpu.vector_store %arg7[%swap3A_535, %swap3A_536], %swap3A_539 {strides = array<i32>} : memref<8x128xf32, #tpu.memory_space<vmem>>, vector<1x16xf32>,
    %swap3A_540 = arith.constant 6 : i32
    %swap3A_541 = arith.index_cast %swap3A_540 : i32 to index
    %swap3A_542 = arith.constant 64 : index
    %swap3A_543 = tpu.vector_load %arg7[%swap3A_541, %swap3A_542] {strides = array<i32>} : memref<8x128xf32, #tpu.memory_space<vmem>>, vector<1x16xf32>,
    %swap3A_544 = vector.shape_cast %swap3A_543 : vector<1x16xf32> to vector<16xf32>
    %swap3A_545 = vector.shape_cast %broadcast_in_dim3A_228 : vector<16xf32> to vector<1x16xf32>
    tpu.vector_store %arg7[%swap3A_541, %swap3A_542], %swap3A_545 {strides = array<i32>} : memref<8x128xf32, #tpu.memory_space<vmem>>, vector<1x16xf32>,
    %swap3A_546 = arith.constant 6 : i32
    %swap3A_547 = arith.index_cast %swap3A_546 : i32 to index
    %swap3A_548 = arith.constant 80 : index
    %swap3A_549 = tpu.vector_load %arg7[%swap3A_547, %swap3A_548] {strides = array<i32>} : memref<8x128xf32, #tpu.memory_space<vmem>>, vector<1x16xf32>,
    %swap3A_550 = vector.shape_cast %swap3A_549 : vector<1x16xf32> to vector<16xf32>
    %swap3A_551 = vector.shape_cast %broadcast_in_dim3A_228 : vector<16xf32> to vector<1x16xf32>
    tpu.vector_store %arg7[%swap3A_547, %swap3A_548], %swap3A_551 {strides = array<i32>} : memref<8x128xf32, #tpu.memory_space<vmem>>, vector<1x16xf32>,
    %swap3A_552 = arith.constant 6 : i32
    %swap3A_553 = arith.index_cast %swap3A_552 : i32 to index
    %swap3A_554 = arith.constant 96 : index
    %swap3A_555 = tpu.vector_load %arg7[%swap3A_553, %swap3A_554] {strides = array<i32>} : memref<8x128xf32, #tpu.memory_space<vmem>>, vector<1x16xf32>,
    %swap3A_556 = vector.shape_cast %swap3A_555 : vector<1x16xf32> to vector<16xf32>
    %swap3A_557 = vector.shape_cast %broadcast_in_dim3A_228 : vector<16xf32> to vector<1x16xf32>
    tpu.vector_store %arg7[%swap3A_553, %swap3A_554], %swap3A_557 {strides = array<i32>} : memref<8x128xf32, #tpu.memory_space<vmem>>, vector<1x16xf32>,
    %swap3A_558 = arith.constant 6 : i32
    %swap3A_559 = arith.index_cast %swap3A_558 : i32 to index
    %swap3A_560 = arith.constant 112 : index
    %swap3A_561 = tpu.vector_load %arg7[%swap3A_559, %swap3A_560] {strides = array<i32>} : memref<8x128xf32, #tpu.memory_space<vmem>>, vector<1x16xf32>,
    %swap3A_562 = vector.shape_cast %swap3A_561 : vector<1x16xf32> to vector<16xf32>
    %swap3A_563 = vector.shape_cast %broadcast_in_dim3A_228 : vector<16xf32> to vector<1x16xf32>
    tpu.vector_store %arg7[%swap3A_559, %swap3A_560], %swap3A_563 {strides = array<i32>} : memref<8x128xf32, #tpu.memory_space<vmem>>, vector<1x16xf32>,
    %swap3A_564 = arith.constant 7 : i32
    %swap3A_565 = arith.index_cast %swap3A_564 : i32 to index
    %swap3A_566 = arith.constant 0 : index
    %swap3A_567 = tpu.vector_load %arg7[%swap3A_565, %swap3A_566] {strides = array<i32>} : memref<8x128xf32, #tpu.memory_space<vmem>>, vector<1x16xf32>,
    %swap3A_568 = vector.shape_cast %swap3A_567 : vector<1x16xf32> to vector<16xf32>
    %swap3A_569 = vector.shape_cast %broadcast_in_dim3A_228 : vector<16xf32> to vector<1x16xf32>
    tpu.vector_store %arg7[%swap3A_565, %swap3A_566], %swap3A_569 {strides = array<i32>} : memref<8x128xf32, #tpu.memory_space<vmem>>, vector<1x16xf32>,
    %swap3A_570 = arith.constant 7 : i32
    %swap3A_571 = arith.index_cast %swap3A_570 : i32 to index
    %swap3A_572 = arith.constant 16 : index
    %swap3A_573 = tpu.vector_load %arg7[%swap3A_571, %swap3A_572] {strides = array<i32>} : memref<8x128xf32, #tpu.memory_space<vmem>>, vector<1x16xf32>,
    %swap3A_574 = vector.shape_cast %swap3A_573 : vector<1x16xf32> to vector<16xf32>
    %swap3A_575 = vector.shape_cast %broadcast_in_dim3A_228 : vector<16xf32> to vector<1x16xf32>
    tpu.vector_store %arg7[%swap3A_571, %swap3A_572], %swap3A_575 {strides = array<i32>} : memref<8x128xf32, #tpu.memory_space<vmem>>, vector<1x16xf32>,
    %swap3A_576 = arith.constant 7 : i32
    %swap3A_577 = arith.index_cast %swap3A_576 : i32 to index
    %swap3A_578 = arith.constant 32 : index
    %swap3A_579 = tpu.vector_load %arg7[%swap3A_577, %swap3A_578] {strides = array<i32>} : memref<8x128xf32, #tpu.memory_space<vmem>>, vector<1x16xf32>,
    %swap3A_580 = vector.shape_cast %swap3A_579 : vector<1x16xf32> to vector<16xf32>
    %swap3A_581 = vector.shape_cast %broadcast_in_dim3A_228 : vector<16xf32> to vector<1x16xf32>
    tpu.vector_store %arg7[%swap3A_577, %swap3A_578], %swap3A_581 {strides = array<i32>} : memref<8x128xf32, #tpu.memory_space<vmem>>, vector<1x16xf32>,
    %swap3A_582 = arith.constant 7 : i32
    %swap3A_583 = arith.index_cast %swap3A_582 : i32 to index
    %swap3A_584 = arith.constant 48 : index
    %swap3A_585 = tpu.vector_load %arg7[%swap3A_583, %swap3A_584] {strides = array<i32>} : memref<8x128xf32, #tpu.memory_space<vmem>>, vector<1x16xf32>,
    %swap3A_586 = vector.shape_cast %swap3A_585 : vector<1x16xf32> to vector<16xf32>
    %swap3A_587 = vector.shape_cast %broadcast_in_dim3A_228 : vector<16xf32> to vector<1x16xf32>
    tpu.vector_store %arg7[%swap3A_583, %swap3A_584], %swap3A_587 {strides = array<i32>} : memref<8x128xf32, #tpu.memory_space<vmem>>, vector<1x16xf32>,
    %swap3A_588 = arith.constant 7 : i32
    %swap3A_589 = arith.index_cast %swap3A_588 : i32 to index
    %swap3A_590 = arith.constant 64 : index
    %swap3A_591 = tpu.vector_load %arg7[%swap3A_589, %swap3A_590] {strides = array<i32>} : memref<8x128xf32, #tpu.memory_space<vmem>>, vector<1x16xf32>,
    %swap3A_592 = vector.shape_cast %swap3A_591 : vector<1x16xf32> to vector<16xf32>
    %swap3A_593 = vector.shape_cast %broadcast_in_dim3A_228 : vector<16xf32> to vector<1x16xf32>
    tpu.vector_store %arg7[%swap3A_589, %swap3A_590], %swap3A_593 {strides = array<i32>} : memref<8x128xf32, #tpu.memory_space<vmem>>, vector<1x16xf32>,
    %swap3A_594 = arith.constant 7 : i32
    %swap3A_595 = arith.index_cast %swap3A_594 : i32 to index
    %swap3A_596 = arith.constant 80 : index
    %swap3A_597 = tpu.vector_load %arg7[%swap3A_595, %swap3A_596] {strides = array<i32>} : memref<8x128xf32, #tpu.memory_space<vmem>>, vector<1x16xf32>,
    %swap3A_598 = vector.shape_cast %swap3A_597 : vector<1x16xf32> to vector<16xf32>
    %swap3A_599 = vector.shape_cast %broadcast_in_dim3A_228 : vector<16xf32> to vector<1x16xf32>
    tpu.vector_store %arg7[%swap3A_595, %swap3A_596], %swap3A_599 {strides = array<i32>} : memref<8x128xf32, #tpu.memory_space<vmem>>, vector<1x16xf32>,
    %swap3A_600 = arith.constant 7 : i32
    %swap3A_601 = arith.index_cast %swap3A_600 : i32 to index
    %swap3A_602 = arith.constant 96 : index
    %swap3A_603 = tpu.vector_load %arg7[%swap3A_601, %swap3A_602] {strides = array<i32>} : memref<8x128xf32, #tpu.memory_space<vmem>>, vector<1x16xf32>,
    %swap3A_604 = vector.shape_cast %swap3A_603 : vector<1x16xf32> to vector<16xf32>
    %swap3A_605 = vector.shape_cast %broadcast_in_dim3A_228 : vector<16xf32> to vector<1x16xf32>
    tpu.vector_store %arg7[%swap3A_601, %swap3A_602], %swap3A_605 {strides = array<i32>} : memref<8x128xf32, #tpu.memory_space<vmem>>, vector<1x16xf32>,
    %swap3A_606 = arith.constant 7 : i32
    %swap3A_607 = arith.index_cast %swap3A_606 : i32 to index
    %swap3A_608 = arith.constant 112 : index
    %swap3A_609 = tpu.vector_load %arg7[%swap3A_607, %swap3A_608] {strides = array<i32>} : memref<8x128xf32, #tpu.memory_space<vmem>>, vector<1x16xf32>,
    %swap3A_610 = vector.shape_cast %swap3A_609 : vector<1x16xf32> to vector<16xf32>
    %swap3A_611 = vector.shape_cast %broadcast_in_dim3A_228 : vector<16xf32> to vector<1x16xf32>
    tpu.vector_store %arg7[%swap3A_607, %swap3A_608], %swap3A_611 {strides = array<i32>} : memref<8x128xf32, #tpu.memory_space<vmem>>, vector<1x16xf32>,
    %mul3A_612 = arith.constant 8 : i32
    %mul3A_613 = arith.muli %arg1, %mul3A_612 : i32
    "tpu.region"() ({
      %run_scoped3A = tpu.sem_alloc : memref<!tpu.dma_semaphore, #tpu.memory_space<semaphore_mem>>
      %dma_start3A_833 = arith.constant 0 : i32
      %dma_start3A_834 = tpu.memref_slice %arg8[%mul3A_613, %dma_start3A_833] : memref<128x128xf32, #tpu.memory_space<vmem_shared>> -> memref<8x128xf32, #tpu.memory_space<vmem_shared>>
      %dma_start3A_835 = arith.constant 0 : i32
      %dma_start3A_836 = tpu.memref_slice %arg8[%mul3A_613, %dma_start3A_835] : memref<128x128xf32, #tpu.memory_space<vmem_shared>> -> memref<8x128xf32, #tpu.memory_space<vmem_shared>>
      tpu.enqueue_dma source(%arg7 : memref<8x128xf32, #tpu.memory_space<vmem>>) target(%dma_start3A_836 : memref<8x128xf32, #tpu.memory_space<vmem_shared>>) target_semaphore(%run_scoped3A : memref<!tpu.dma_semaphore, #tpu.memory_space<semaphore_mem>>)
      %dma_wait3A_837 = arith.constant 0 : i32
      %dma_wait3A_838 = tpu.memref_slice %arg8[%mul3A_613, %dma_wait3A_837] : memref<128x128xf32, #tpu.memory_space<vmem_shared>> -> memref<8x128xf32, #tpu.memory_space<vmem_shared>>
      %dma_wait3A_839 = arith.constant 0 : i32
      %dma_wait3A_840 = tpu.memref_slice %arg8[%mul3A_613, %dma_wait3A_839] : memref<128x128xf32, #tpu.memory_space<vmem_shared>> -> memref<8x128xf32, #tpu.memory_space<vmem_shared>>
      tpu.wait_dma2 semaphore(%run_scoped3A : memref<!tpu.dma_semaphore, #tpu.memory_space<semaphore_mem>>) src(%arg7 : memref<8x128xf32, #tpu.memory_space<vmem>>) dst(%dma_wait3A_840 : memref<8x128xf32, #tpu.memory_space<vmem_shared>>)
      tpu.yield
    }) : () -> ()
    %barrier3A = arith.constant 0 : index
    tpu.barrier barrier_id(%barrier3A)
    %add3A_614 = arith.constant 0 : i32
    %add3A_615 = arith.addi %add3A_3, %add3A_614 : i32
    %mul3A_616 = arith.constant 80 : i32
    %mul3A_617 = arith.muli %add3A_615, %mul3A_616 : i32
    %dma_wait3A = arith.constant 0 : i32
    %dma_wait3A_618 = arith.constant 0 : i32
    %dma_wait3A_619 = arith.constant 0 : i32
    %dma_wait3A_620 = tpu.memref_slice %arg5[%dma_wait3A, %dma_wait3A_618, %dma_wait3A_619] : memref<15x1x80xi32, #tpu.memory_space<vmem>> -> memref<1x1x80xi32, #tpu.memory_space<vmem>>
    %dma_wait3A_621 = tpu.memref_squeeze %dma_wait3A_620 : memref<1x1x80xi32, #tpu.memory_space<vmem>> -> memref<80xi32, #tpu.memory_space<vmem>>
    %dma_wait3A_622 = tpu.memref_slice %arg3[%mul3A_617] : memref<50000xi32, #tpu.memory_space<hbm>> -> memref<80xi32, #tpu.memory_space<hbm>>
    %dma_wait3A_623 = arith.constant 0 : i32
    %dma_wait3A_624 = tpu.memref_slice %arg5[%dma_wait3A, %dma_wait3A_618, %dma_wait3A_623] : memref<15x1x80xi32, #tpu.memory_space<vmem>> -> memref<1x1x80xi32, #tpu.memory_space<vmem>>
    %dma_wait3A_625 = tpu.memref_squeeze %dma_wait3A_624 : memref<1x1x80xi32, #tpu.memory_space<vmem>> -> memref<80xi32, #tpu.memory_space<vmem>>
    %dma_wait3A_626 = tpu.memref_slice %arg3[%mul3A_617] : memref<50000xi32, #tpu.memory_space<hbm>> -> memref<80xi32, #tpu.memory_space<hbm>>
    tpu.wait_dma2 semaphore(%arg13 : memref<!tpu.dma_semaphore, #tpu.memory_space<semaphore_mem>>) src(%dma_wait3A_626 : memref<80xi32, #tpu.memory_space<hbm>>) dst(%dma_wait3A_625 : memref<80xi32, #tpu.memory_space<vmem>>)
    %add3A_627 = arith.constant 1 : i32
    %add3A_628 = arith.addi %add3A_3, %add3A_627 : i32
    %mul3A_629 = arith.constant 80 : i32
    %mul3A_630 = arith.muli %add3A_628, %mul3A_629 : i32
    %dma_wait3A_631 = arith.constant 1 : i32
    %dma_wait3A_632 = arith.constant 0 : i32
    %dma_wait3A_633 = arith.constant 0 : i32
    %dma_wait3A_634 = tpu.memref_slice %arg5[%dma_wait3A_631, %dma_wait3A_632, %dma_wait3A_633] : memref<15x1x80xi32, #tpu.memory_space<vmem>> -> memref<1x1x80xi32, #tpu.memory_space<vmem>>
    %dma_wait3A_635 = tpu.memref_squeeze %dma_wait3A_634 : memref<1x1x80xi32, #tpu.memory_space<vmem>> -> memref<80xi32, #tpu.memory_space<vmem>>
    %dma_wait3A_636 = tpu.memref_slice %arg3[%mul3A_630] : memref<50000xi32, #tpu.memory_space<hbm>> -> memref<80xi32, #tpu.memory_space<hbm>>
    %dma_wait3A_637 = arith.constant 0 : i32
    %dma_wait3A_638 = tpu.memref_slice %arg5[%dma_wait3A_631, %dma_wait3A_632, %dma_wait3A_637] : memref<15x1x80xi32, #tpu.memory_space<vmem>> -> memref<1x1x80xi32, #tpu.memory_space<vmem>>
    %dma_wait3A_639 = tpu.memref_squeeze %dma_wait3A_638 : memref<1x1x80xi32, #tpu.memory_space<vmem>> -> memref<80xi32, #tpu.memory_space<vmem>>
    %dma_wait3A_640 = tpu.memref_slice %arg3[%mul3A_630] : memref<50000xi32, #tpu.memory_space<hbm>> -> memref<80xi32, #tpu.memory_space<hbm>>
    tpu.wait_dma2 semaphore(%arg13 : memref<!tpu.dma_semaphore, #tpu.memory_space<semaphore_mem>>) src(%dma_wait3A_640 : memref<80xi32, #tpu.memory_space<hbm>>) dst(%dma_wait3A_639 : memref<80xi32, #tpu.memory_space<vmem>>)
    %add3A_641 = arith.constant 2 : i32
    %add3A_642 = arith.addi %add3A_3, %add3A_641 : i32
    %mul3A_643 = arith.constant 80 : i32
    %mul3A_644 = arith.muli %add3A_642, %mul3A_643 : i32
    %dma_wait3A_645 = arith.constant 2 : i32
    %dma_wait3A_646 = arith.constant 0 : i32
    %dma_wait3A_647 = arith.constant 0 : i32
    %dma_wait3A_648 = tpu.memref_slice %arg5[%dma_wait3A_645, %dma_wait3A_646, %dma_wait3A_647] : memref<15x1x80xi32, #tpu.memory_space<vmem>> -> memref<1x1x80xi32, #tpu.memory_space<vmem>>
    %dma_wait3A_649 = tpu.memref_squeeze %dma_wait3A_648 : memref<1x1x80xi32, #tpu.memory_space<vmem>> -> memref<80xi32, #tpu.memory_space<vmem>>
    %dma_wait3A_650 = tpu.memref_slice %arg3[%mul3A_644] : memref<50000xi32, #tpu.memory_space<hbm>> -> memref<80xi32, #tpu.memory_space<hbm>>
    %dma_wait3A_651 = arith.constant 0 : i32
    %dma_wait3A_652 = tpu.memref_slice %arg5[%dma_wait3A_645, %dma_wait3A_646, %dma_wait3A_651] : memref<15x1x80xi32, #tpu.memory_space<vmem>> -> memref<1x1x80xi32, #tpu.memory_space<vmem>>
    %dma_wait3A_653 = tpu.memref_squeeze %dma_wait3A_652 : memref<1x1x80xi32, #tpu.memory_space<vmem>> -> memref<80xi32, #tpu.memory_space<vmem>>
    %dma_wait3A_654 = tpu.memref_slice %arg3[%mul3A_644] : memref<50000xi32, #tpu.memory_space<hbm>> -> memref<80xi32, #tpu.memory_space<hbm>>
    tpu.wait_dma2 semaphore(%arg13 : memref<!tpu.dma_semaphore, #tpu.memory_space<semaphore_mem>>) src(%dma_wait3A_654 : memref<80xi32, #tpu.memory_space<hbm>>) dst(%dma_wait3A_653 : memref<80xi32, #tpu.memory_space<vmem>>)
    %add3A_655 = arith.constant 3 : i32
    %add3A_656 = arith.addi %add3A_3, %add3A_655 : i32
    %mul3A_657 = arith.constant 80 : i32
    %mul3A_658 = arith.muli %add3A_656, %mul3A_657 : i32
    %dma_wait3A_659 = arith.constant 3 : i32
    %dma_wait3A_660 = arith.constant 0 : i32
    %dma_wait3A_661 = arith.constant 0 : i32
    %dma_wait3A_662 = tpu.memref_slice %arg5[%dma_wait3A_659, %dma_wait3A_660, %dma_wait3A_661] : memref<15x1x80xi32, #tpu.memory_space<vmem>> -> memref<1x1x80xi32, #tpu.memory_space<vmem>>
    %dma_wait3A_663 = tpu.memref_squeeze %dma_wait3A_662 : memref<1x1x80xi32, #tpu.memory_space<vmem>> -> memref<80xi32, #tpu.memory_space<vmem>>
    %dma_wait3A_664 = tpu.memref_slice %arg3[%mul3A_658] : memref<50000xi32, #tpu.memory_space<hbm>> -> memref<80xi32, #tpu.memory_space<hbm>>
    %dma_wait3A_665 = arith.constant 0 : i32
    %dma_wait3A_666 = tpu.memref_slice %arg5[%dma_wait3A_659, %dma_wait3A_660, %dma_wait3A_665] : memref<15x1x80xi32, #tpu.memory_space<vmem>> -> memref<1x1x80xi32, #tpu.memory_space<vmem>>
    %dma_wait3A_667 = tpu.memref_squeeze %dma_wait3A_666 : memref<1x1x80xi32, #tpu.memory_space<vmem>> -> memref<80xi32, #tpu.memory_space<vmem>>
    %dma_wait3A_668 = tpu.memref_slice %arg3[%mul3A_658] : memref<50000xi32, #tpu.memory_space<hbm>> -> memref<80xi32, #tpu.memory_space<hbm>>
    tpu.wait_dma2 semaphore(%arg13 : memref<!tpu.dma_semaphore, #tpu.memory_space<semaphore_mem>>) src(%dma_wait3A_668 : memref<80xi32, #tpu.memory_space<hbm>>) dst(%dma_wait3A_667 : memref<80xi32, #tpu.memory_space<vmem>>)
    %add3A_669 = arith.constant 4 : i32
    %add3A_670 = arith.addi %add3A_3, %add3A_669 : i32
    %mul3A_671 = arith.constant 80 : i32
    %mul3A_672 = arith.muli %add3A_670, %mul3A_671 : i32
    %dma_wait3A_673 = arith.constant 4 : i32
    %dma_wait3A_674 = arith.constant 0 : i32
    %dma_wait3A_675 = arith.constant 0 : i32
    %dma_wait3A_676 = tpu.memref_slice %arg5[%dma_wait3A_673, %dma_wait3A_674, %dma_wait3A_675] : memref<15x1x80xi32, #tpu.memory_space<vmem>> -> memref<1x1x80xi32, #tpu.memory_space<vmem>>
    %dma_wait3A_677 = tpu.memref_squeeze %dma_wait3A_676 : memref<1x1x80xi32, #tpu.memory_space<vmem>> -> memref<80xi32, #tpu.memory_space<vmem>>
    %dma_wait3A_678 = tpu.memref_slice %arg3[%mul3A_672] : memref<50000xi32, #tpu.memory_space<hbm>> -> memref<80xi32, #tpu.memory_space<hbm>>
    %dma_wait3A_679 = arith.constant 0 : i32
    %dma_wait3A_680 = tpu.memref_slice %arg5[%dma_wait3A_673, %dma_wait3A_674, %dma_wait3A_679] : memref<15x1x80xi32, #tpu.memory_space<vmem>> -> memref<1x1x80xi32, #tpu.memory_space<vmem>>
    %dma_wait3A_681 = tpu.memref_squeeze %dma_wait3A_680 : memref<1x1x80xi32, #tpu.memory_space<vmem>> -> memref<80xi32, #tpu.memory_space<vmem>>
    %dma_wait3A_682 = tpu.memref_slice %arg3[%mul3A_672] : memref<50000xi32, #tpu.memory_space<hbm>> -> memref<80xi32, #tpu.memory_space<hbm>>
    tpu.wait_dma2 semaphore(%arg13 : memref<!tpu.dma_semaphore, #tpu.memory_space<semaphore_mem>>) src(%dma_wait3A_682 : memref<80xi32, #tpu.memory_space<hbm>>) dst(%dma_wait3A_681 : memref<80xi32, #tpu.memory_space<vmem>>)
    %add3A_683 = arith.constant 5 : i32
    %add3A_684 = arith.addi %add3A_3, %add3A_683 : i32
    %mul3A_685 = arith.constant 80 : i32
    %mul3A_686 = arith.muli %add3A_684, %mul3A_685 : i32
    %dma_wait3A_687 = arith.constant 5 : i32
    %dma_wait3A_688 = arith.constant 0 : i32
    %dma_wait3A_689 = arith.constant 0 : i32
    %dma_wait3A_690 = tpu.memref_slice %arg5[%dma_wait3A_687, %dma_wait3A_688, %dma_wait3A_689] : memref<15x1x80xi32, #tpu.memory_space<vmem>> -> memref<1x1x80xi32, #tpu.memory_space<vmem>>
    %dma_wait3A_691 = tpu.memref_squeeze %dma_wait3A_690 : memref<1x1x80xi32, #tpu.memory_space<vmem>> -> memref<80xi32, #tpu.memory_space<vmem>>
    %dma_wait3A_692 = tpu.memref_slice %arg3[%mul3A_686] : memref<50000xi32, #tpu.memory_space<hbm>> -> memref<80xi32, #tpu.memory_space<hbm>>
    %dma_wait3A_693 = arith.constant 0 : i32
    %dma_wait3A_694 = tpu.memref_slice %arg5[%dma_wait3A_687, %dma_wait3A_688, %dma_wait3A_693] : memref<15x1x80xi32, #tpu.memory_space<vmem>> -> memref<1x1x80xi32, #tpu.memory_space<vmem>>
    %dma_wait3A_695 = tpu.memref_squeeze %dma_wait3A_694 : memref<1x1x80xi32, #tpu.memory_space<vmem>> -> memref<80xi32, #tpu.memory_space<vmem>>
    %dma_wait3A_696 = tpu.memref_slice %arg3[%mul3A_686] : memref<50000xi32, #tpu.memory_space<hbm>> -> memref<80xi32, #tpu.memory_space<hbm>>
    tpu.wait_dma2 semaphore(%arg13 : memref<!tpu.dma_semaphore, #tpu.memory_space<semaphore_mem>>) src(%dma_wait3A_696 : memref<80xi32, #tpu.memory_space<hbm>>) dst(%dma_wait3A_695 : memref<80xi32, #tpu.memory_space<vmem>>)
    %add3A_697 = arith.constant 6 : i32
    %add3A_698 = arith.addi %add3A_3, %add3A_697 : i32
    %mul3A_699 = arith.constant 80 : i32
    %mul3A_700 = arith.muli %add3A_698, %mul3A_699 : i32
    %dma_wait3A_701 = arith.constant 6 : i32
    %dma_wait3A_702 = arith.constant 0 : i32
    %dma_wait3A_703 = arith.constant 0 : i32
    %dma_wait3A_704 = tpu.memref_slice %arg5[%dma_wait3A_701, %dma_wait3A_702, %dma_wait3A_703] : memref<15x1x80xi32, #tpu.memory_space<vmem>> -> memref<1x1x80xi32, #tpu.memory_space<vmem>>
    %dma_wait3A_705 = tpu.memref_squeeze %dma_wait3A_704 : memref<1x1x80xi32, #tpu.memory_space<vmem>> -> memref<80xi32, #tpu.memory_space<vmem>>
    %dma_wait3A_706 = tpu.memref_slice %arg3[%mul3A_700] : memref<50000xi32, #tpu.memory_space<hbm>> -> memref<80xi32, #tpu.memory_space<hbm>>
    %dma_wait3A_707 = arith.constant 0 : i32
    %dma_wait3A_708 = tpu.memref_slice %arg5[%dma_wait3A_701, %dma_wait3A_702, %dma_wait3A_707] : memref<15x1x80xi32, #tpu.memory_space<vmem>> -> memref<1x1x80xi32, #tpu.memory_space<vmem>>
    %dma_wait3A_709 = tpu.memref_squeeze %dma_wait3A_708 : memref<1x1x80xi32, #tpu.memory_space<vmem>> -> memref<80xi32, #tpu.memory_space<vmem>>
    %dma_wait3A_710 = tpu.memref_slice %arg3[%mul3A_700] : memref<50000xi32, #tpu.memory_space<hbm>> -> memref<80xi32, #tpu.memory_space<hbm>>
    tpu.wait_dma2 semaphore(%arg13 : memref<!tpu.dma_semaphore, #tpu.memory_space<semaphore_mem>>) src(%dma_wait3A_710 : memref<80xi32, #tpu.memory_space<hbm>>) dst(%dma_wait3A_709 : memref<80xi32, #tpu.memory_space<vmem>>)
    %add3A_711 = arith.constant 7 : i32
    %add3A_712 = arith.addi %add3A_3, %add3A_711 : i32
    %mul3A_713 = arith.constant 80 : i32
    %mul3A_714 = arith.muli %add3A_712, %mul3A_713 : i32
    %dma_wait3A_715 = arith.constant 7 : i32
    %dma_wait3A_716 = arith.constant 0 : i32
    %dma_wait3A_717 = arith.constant 0 : i32
    %dma_wait3A_718 = tpu.memref_slice %arg5[%dma_wait3A_715, %dma_wait3A_716, %dma_wait3A_717] : memref<15x1x80xi32, #tpu.memory_space<vmem>> -> memref<1x1x80xi32, #tpu.memory_space<vmem>>
    %dma_wait3A_719 = tpu.memref_squeeze %dma_wait3A_718 : memref<1x1x80xi32, #tpu.memory_space<vmem>> -> memref<80xi32, #tpu.memory_space<vmem>>
    %dma_wait3A_720 = tpu.memref_slice %arg3[%mul3A_714] : memref<50000xi32, #tpu.memory_space<hbm>> -> memref<80xi32, #tpu.memory_space<hbm>>
    %dma_wait3A_721 = arith.constant 0 : i32
    %dma_wait3A_722 = tpu.memref_slice %arg5[%dma_wait3A_715, %dma_wait3A_716, %dma_wait3A_721] : memref<15x1x80xi32, #tpu.memory_space<vmem>> -> memref<1x1x80xi32, #tpu.memory_space<vmem>>
    %dma_wait3A_723 = tpu.memref_squeeze %dma_wait3A_722 : memref<1x1x80xi32, #tpu.memory_space<vmem>> -> memref<80xi32, #tpu.memory_space<vmem>>
    %dma_wait3A_724 = tpu.memref_slice %arg3[%mul3A_714] : memref<50000xi32, #tpu.memory_space<hbm>> -> memref<80xi32, #tpu.memory_space<hbm>>
    tpu.wait_dma2 semaphore(%arg13 : memref<!tpu.dma_semaphore, #tpu.memory_space<semaphore_mem>>) src(%dma_wait3A_724 : memref<80xi32, #tpu.memory_space<hbm>>) dst(%dma_wait3A_723 : memref<80xi32, #tpu.memory_space<vmem>>)
    %add3A_725 = arith.constant 8 : i32
    %add3A_726 = arith.addi %add3A_3, %add3A_725 : i32
    %mul3A_727 = arith.constant 80 : i32
    %mul3A_728 = arith.muli %add3A_726, %mul3A_727 : i32
    %dma_wait3A_729 = arith.constant 8 : i32
    %dma_wait3A_730 = arith.constant 0 : i32
    %dma_wait3A_731 = arith.constant 0 : i32
    %dma_wait3A_732 = tpu.memref_slice %arg5[%dma_wait3A_729, %dma_wait3A_730, %dma_wait3A_731] : memref<15x1x80xi32, #tpu.memory_space<vmem>> -> memref<1x1x80xi32, #tpu.memory_space<vmem>>
    %dma_wait3A_733 = tpu.memref_squeeze %dma_wait3A_732 : memref<1x1x80xi32, #tpu.memory_space<vmem>> -> memref<80xi32, #tpu.memory_space<vmem>>
    %dma_wait3A_734 = tpu.memref_slice %arg3[%mul3A_728] : memref<50000xi32, #tpu.memory_space<hbm>> -> memref<80xi32, #tpu.memory_space<hbm>>
    %dma_wait3A_735 = arith.constant 0 : i32
    %dma_wait3A_736 = tpu.memref_slice %arg5[%dma_wait3A_729, %dma_wait3A_730, %dma_wait3A_735] : memref<15x1x80xi32, #tpu.memory_space<vmem>> -> memref<1x1x80xi32, #tpu.memory_space<vmem>>
    %dma_wait3A_737 = tpu.memref_squeeze %dma_wait3A_736 : memref<1x1x80xi32, #tpu.memory_space<vmem>> -> memref<80xi32, #tpu.memory_space<vmem>>
    %dma_wait3A_738 = tpu.memref_slice %arg3[%mul3A_728] : memref<50000xi32, #tpu.memory_space<hbm>> -> memref<80xi32, #tpu.memory_space<hbm>>
    tpu.wait_dma2 semaphore(%arg13 : memref<!tpu.dma_semaphore, #tpu.memory_space<semaphore_mem>>) src(%dma_wait3A_738 : memref<80xi32, #tpu.memory_space<hbm>>) dst(%dma_wait3A_737 : memref<80xi32, #tpu.memory_space<vmem>>)
    %add3A_739 = arith.constant 9 : i32
    %add3A_740 = arith.addi %add3A_3, %add3A_739 : i32
    %mul3A_741 = arith.constant 80 : i32
    %mul3A_742 = arith.muli %add3A_740, %mul3A_741 : i32
    %dma_wait3A_743 = arith.constant 9 : i32
    %dma_wait3A_744 = arith.constant 0 : i32
    %dma_wait3A_745 = arith.constant 0 : i32
    %dma_wait3A_746 = tpu.memref_slice %arg5[%dma_wait3A_743, %dma_wait3A_744, %dma_wait3A_745] : memref<15x1x80xi32, #tpu.memory_space<vmem>> -> memref<1x1x80xi32, #tpu.memory_space<vmem>>
    %dma_wait3A_747 = tpu.memref_squeeze %dma_wait3A_746 : memref<1x1x80xi32, #tpu.memory_space<vmem>> -> memref<80xi32, #tpu.memory_space<vmem>>
    %dma_wait3A_748 = tpu.memref_slice %arg3[%mul3A_742] : memref<50000xi32, #tpu.memory_space<hbm>> -> memref<80xi32, #tpu.memory_space<hbm>>
    %dma_wait3A_749 = arith.constant 0 : i32
    %dma_wait3A_750 = tpu.memref_slice %arg5[%dma_wait3A_743, %dma_wait3A_744, %dma_wait3A_749] : memref<15x1x80xi32, #tpu.memory_space<vmem>> -> memref<1x1x80xi32, #tpu.memory_space<vmem>>
    %dma_wait3A_751 = tpu.memref_squeeze %dma_wait3A_750 : memref<1x1x80xi32, #tpu.memory_space<vmem>> -> memref<80xi32, #tpu.memory_space<vmem>>
    %dma_wait3A_752 = tpu.memref_slice %arg3[%mul3A_742] : memref<50000xi32, #tpu.memory_space<hbm>> -> memref<80xi32, #tpu.memory_space<hbm>>
    tpu.wait_dma2 semaphore(%arg13 : memref<!tpu.dma_semaphore, #tpu.memory_space<semaphore_mem>>) src(%dma_wait3A_752 : memref<80xi32, #tpu.memory_space<hbm>>) dst(%dma_wait3A_751 : memref<80xi32, #tpu.memory_space<vmem>>)
    %add3A_753 = arith.constant 10 : i32
    %add3A_754 = arith.addi %add3A_3, %add3A_753 : i32
    %mul3A_755 = arith.constant 80 : i32
    %mul3A_756 = arith.muli %add3A_754, %mul3A_755 : i32
    %dma_wait3A_757 = arith.constant 10 : i32
    %dma_wait3A_758 = arith.constant 0 : i32
    %dma_wait3A_759 = arith.constant 0 : i32
    %dma_wait3A_760 = tpu.memref_slice %arg5[%dma_wait3A_757, %dma_wait3A_758, %dma_wait3A_759] : memref<15x1x80xi32, #tpu.memory_space<vmem>> -> memref<1x1x80xi32, #tpu.memory_space<vmem>>
    %dma_wait3A_761 = tpu.memref_squeeze %dma_wait3A_760 : memref<1x1x80xi32, #tpu.memory_space<vmem>> -> memref<80xi32, #tpu.memory_space<vmem>>
    %dma_wait3A_762 = tpu.memref_slice %arg3[%mul3A_756] : memref<50000xi32, #tpu.memory_space<hbm>> -> memref<80xi32, #tpu.memory_space<hbm>>
    %dma_wait3A_763 = arith.constant 0 : i32
    %dma_wait3A_764 = tpu.memref_slice %arg5[%dma_wait3A_757, %dma_wait3A_758, %dma_wait3A_763] : memref<15x1x80xi32, #tpu.memory_space<vmem>> -> memref<1x1x80xi32, #tpu.memory_space<vmem>>
    %dma_wait3A_765 = tpu.memref_squeeze %dma_wait3A_764 : memref<1x1x80xi32, #tpu.memory_space<vmem>> -> memref<80xi32, #tpu.memory_space<vmem>>
    %dma_wait3A_766 = tpu.memref_slice %arg3[%mul3A_756] : memref<50000xi32, #tpu.memory_space<hbm>> -> memref<80xi32, #tpu.memory_space<hbm>>
    tpu.wait_dma2 semaphore(%arg13 : memref<!tpu.dma_semaphore, #tpu.memory_space<semaphore_mem>>) src(%dma_wait3A_766 : memref<80xi32, #tpu.memory_space<hbm>>) dst(%dma_wait3A_765 : memref<80xi32, #tpu.memory_space<vmem>>)
    %add3A_767 = arith.constant 11 : i32
    %add3A_768 = arith.addi %add3A_3, %add3A_767 : i32
    %mul3A_769 = arith.constant 80 : i32
    %mul3A_770 = arith.muli %add3A_768, %mul3A_769 : i32
    %dma_wait3A_771 = arith.constant 11 : i32
    %dma_wait3A_772 = arith.constant 0 : i32
    %dma_wait3A_773 = arith.constant 0 : i32
    %dma_wait3A_774 = tpu.memref_slice %arg5[%dma_wait3A_771, %dma_wait3A_772, %dma_wait3A_773] : memref<15x1x80xi32, #tpu.memory_space<vmem>> -> memref<1x1x80xi32, #tpu.memory_space<vmem>>
    %dma_wait3A_775 = tpu.memref_squeeze %dma_wait3A_774 : memref<1x1x80xi32, #tpu.memory_space<vmem>> -> memref<80xi32, #tpu.memory_space<vmem>>
    %dma_wait3A_776 = tpu.memref_slice %arg3[%mul3A_770] : memref<50000xi32, #tpu.memory_space<hbm>> -> memref<80xi32, #tpu.memory_space<hbm>>
    %dma_wait3A_777 = arith.constant 0 : i32
    %dma_wait3A_778 = tpu.memref_slice %arg5[%dma_wait3A_771, %dma_wait3A_772, %dma_wait3A_777] : memref<15x1x80xi32, #tpu.memory_space<vmem>> -> memref<1x1x80xi32, #tpu.memory_space<vmem>>
    %dma_wait3A_779 = tpu.memref_squeeze %dma_wait3A_778 : memref<1x1x80xi32, #tpu.memory_space<vmem>> -> memref<80xi32, #tpu.memory_space<vmem>>
    %dma_wait3A_780 = tpu.memref_slice %arg3[%mul3A_770] : memref<50000xi32, #tpu.memory_space<hbm>> -> memref<80xi32, #tpu.memory_space<hbm>>
    tpu.wait_dma2 semaphore(%arg13 : memref<!tpu.dma_semaphore, #tpu.memory_space<semaphore_mem>>) src(%dma_wait3A_780 : memref<80xi32, #tpu.memory_space<hbm>>) dst(%dma_wait3A_779 : memref<80xi32, #tpu.memory_space<vmem>>)
    %add3A_781 = arith.constant 12 : i32
    %add3A_782 = arith.addi %add3A_3, %add3A_781 : i32
    %mul3A_783 = arith.constant 80 : i32
    %mul3A_784 = arith.muli %add3A_782, %mul3A_783 : i32
    %dma_wait3A_785 = arith.constant 12 : i32
    %dma_wait3A_786 = arith.constant 0 : i32
    %dma_wait3A_787 = arith.constant 0 : i32
    %dma_wait3A_788 = tpu.memref_slice %arg5[%dma_wait3A_785, %dma_wait3A_786, %dma_wait3A_787] : memref<15x1x80xi32, #tpu.memory_space<vmem>> -> memref<1x1x80xi32, #tpu.memory_space<vmem>>
    %dma_wait3A_789 = tpu.memref_squeeze %dma_wait3A_788 : memref<1x1x80xi32, #tpu.memory_space<vmem>> -> memref<80xi32, #tpu.memory_space<vmem>>
    %dma_wait3A_790 = tpu.memref_slice %arg3[%mul3A_784] : memref<50000xi32, #tpu.memory_space<hbm>> -> memref<80xi32, #tpu.memory_space<hbm>>
    %dma_wait3A_791 = arith.constant 0 : i32
    %dma_wait3A_792 = tpu.memref_slice %arg5[%dma_wait3A_785, %dma_wait3A_786, %dma_wait3A_791] : memref<15x1x80xi32, #tpu.memory_space<vmem>> -> memref<1x1x80xi32, #tpu.memory_space<vmem>>
    %dma_wait3A_793 = tpu.memref_squeeze %dma_wait3A_792 : memref<1x1x80xi32, #tpu.memory_space<vmem>> -> memref<80xi32, #tpu.memory_space<vmem>>
    %dma_wait3A_794 = tpu.memref_slice %arg3[%mul3A_784] : memref<50000xi32, #tpu.memory_space<hbm>> -> memref<80xi32, #tpu.memory_space<hbm>>
    tpu.wait_dma2 semaphore(%arg13 : memref<!tpu.dma_semaphore, #tpu.memory_space<semaphore_mem>>) src(%dma_wait3A_794 : memref<80xi32, #tpu.memory_space<hbm>>) dst(%dma_wait3A_793 : memref<80xi32, #tpu.memory_space<vmem>>)
    %add3A_795 = arith.constant 13 : i32
    %add3A_796 = arith.addi %add3A_3, %add3A_795 : i32
    %mul3A_797 = arith.constant 80 : i32
    %mul3A_798 = arith.muli %add3A_796, %mul3A_797 : i32
    %dma_wait3A_799 = arith.constant 13 : i32
    %dma_wait3A_800 = arith.constant 0 : i32
    %dma_wait3A_801 = arith.constant 0 : i32
    %dma_wait3A_802 = tpu.memref_slice %arg5[%dma_wait3A_799, %dma_wait3A_800, %dma_wait3A_801] : memref<15x1x80xi32, #tpu.memory_space<vmem>> -> memref<1x1x80xi32, #tpu.memory_space<vmem>>
    %dma_wait3A_803 = tpu.memref_squeeze %dma_wait3A_802 : memref<1x1x80xi32, #tpu.memory_space<vmem>> -> memref<80xi32, #tpu.memory_space<vmem>>
    %dma_wait3A_804 = tpu.memref_slice %arg3[%mul3A_798] : memref<50000xi32, #tpu.memory_space<hbm>> -> memref<80xi32, #tpu.memory_space<hbm>>
    %dma_wait3A_805 = arith.constant 0 : i32
    %dma_wait3A_806 = tpu.memref_slice %arg5[%dma_wait3A_799, %dma_wait3A_800, %dma_wait3A_805] : memref<15x1x80xi32, #tpu.memory_space<vmem>> -> memref<1x1x80xi32, #tpu.memory_space<vmem>>
    %dma_wait3A_807 = tpu.memref_squeeze %dma_wait3A_806 : memref<1x1x80xi32, #tpu.memory_space<vmem>> -> memref<80xi32, #tpu.memory_space<vmem>>
    %dma_wait3A_808 = tpu.memref_slice %arg3[%mul3A_798] : memref<50000xi32, #tpu.memory_space<hbm>> -> memref<80xi32, #tpu.memory_space<hbm>>
    tpu.wait_dma2 semaphore(%arg13 : memref<!tpu.dma_semaphore, #tpu.memory_space<semaphore_mem>>) src(%dma_wait3A_808 : memref<80xi32, #tpu.memory_space<hbm>>) dst(%dma_wait3A_807 : memref<80xi32, #tpu.memory_space<vmem>>)
    %add3A_809 = arith.constant 14 : i32
    %add3A_810 = arith.addi %add3A_3, %add3A_809 : i32
    %mul3A_811 = arith.constant 80 : i32
    %mul3A_812 = arith.muli %add3A_810, %mul3A_811 : i32
    %dma_wait3A_813 = arith.constant 14 : i32
    %dma_wait3A_814 = arith.constant 0 : i32
    %dma_wait3A_815 = arith.constant 0 : i32
    %dma_wait3A_816 = tpu.memref_slice %arg5[%dma_wait3A_813, %dma_wait3A_814, %dma_wait3A_815] : memref<15x1x80xi32, #tpu.memory_space<vmem>> -> memref<1x1x80xi32, #tpu.memory_space<vmem>>
    %dma_wait3A_817 = tpu.memref_squeeze %dma_wait3A_816 : memref<1x1x80xi32, #tpu.memory_space<vmem>> -> memref<80xi32, #tpu.memory_space<vmem>>
    %dma_wait3A_818 = tpu.memref_slice %arg3[%mul3A_812] : memref<50000xi32, #tpu.memory_space<hbm>> -> memref<80xi32, #tpu.memory_space<hbm>>
    %dma_wait3A_819 = arith.constant 0 : i32
    %dma_wait3A_820 = tpu.memref_slice %arg5[%dma_wait3A_813, %dma_wait3A_814, %dma_wait3A_819] : memref<15x1x80xi32, #tpu.memory_space<vmem>> -> memref<1x1x80xi32, #tpu.memory_space<vmem>>
    %dma_wait3A_821 = tpu.memref_squeeze %dma_wait3A_820 : memref<1x1x80xi32, #tpu.memory_space<vmem>> -> memref<80xi32, #tpu.memory_space<vmem>>
    %dma_wait3A_822 = tpu.memref_slice %arg3[%mul3A_812] : memref<50000xi32, #tpu.memory_space<hbm>> -> memref<80xi32, #tpu.memory_space<hbm>>
    tpu.wait_dma2 semaphore(%arg13 : memref<!tpu.dma_semaphore, #tpu.memory_space<semaphore_mem>>) src(%dma_wait3A_822 : memref<80xi32, #tpu.memory_space<hbm>>) dst(%dma_wait3A_821 : memref<80xi32, #tpu.memory_space<vmem>>)
    %scan3A = arith.constant 0 : i32
    %scan3A_823 = arith.constant 0 : i32
    %scan3A_824 = arith.constant 2 : i32
    %scan3A_825 = arith.addi %scan3A_823, %scan3A_824 : i32
    %scan3A_826 = arith.constant 1 : i32
    scf.for %scan3A_833 = %scan3A_823 to %scan3A_825 step %scan3A_826  : i32 {
      %mul3A_834 = arith.constant 2 : i32
      %mul3A_835 = arith.muli %mul3A_834, %scan3A_833 : i32
      %add3A_836 = arith.constant 0 : i32
      %add3A_837 = arith.addi %mul3A_835, %add3A_836 : i32
      %lt3A = arith.constant 3 : i32
      %lt3A_838 = arith.cmpi slt, %add3A_837, %lt3A : i32
      %convert_element_type3A = arith.extui %lt3A_838 : i1 to i32
      %cond3A = arith.constant 0 : i32
      %cond3A_839 = arith.cmpi ne, %convert_element_type3A, %cond3A : i32
      scf.if %cond3A_839 {
        %add3A_880 = arith.constant 0 : i32
        %add3A_881 = arith.addi %add3A_3, %add3A_880 : i32
        %mul3A_882 = arith.constant 80 : i32
        %mul3A_883 = arith.muli %add3A_881, %mul3A_882 : i32
        %dma_wait3A_884 = arith.constant 0 : i32
        %dma_wait3A_885 = arith.constant 0 : i32
        %dma_wait3A_886 = arith.constant 0 : i32
        %dma_wait3A_887 = tpu.memref_slice %arg6[%dma_wait3A_884, %dma_wait3A_885, %dma_wait3A_886] : memref<2x400x128xf32, #tpu.memory_space<vmem>> -> memref<1x400x128xf32, #tpu.memory_space<vmem>>
        %dma_wait3A_888 = tpu.memref_squeeze %dma_wait3A_887 : memref<1x400x128xf32, #tpu.memory_space<vmem>> -> memref<400x128xf32, #tpu.memory_space<vmem>>
        %dma_wait3A_889 = tpu.memref_slice %arg2[%mul3A_883, %mul3A_0] : memref<50000x256xf32, #tpu.memory_space<hbm>> -> memref<400x128xf32, #tpu.memory_space<hbm>>
        %dma_wait3A_890 = arith.constant 0 : i32
        %dma_wait3A_891 = arith.constant 0 : i32
        %dma_wait3A_892 = tpu.memref_slice %arg6[%dma_wait3A_884, %dma_wait3A_890, %dma_wait3A_891] : memref<2x400x128xf32, #tpu.memory_space<vmem>> -> memref<1x400x128xf32, #tpu.memory_space<vmem>>
        %dma_wait3A_893 = tpu.memref_squeeze %dma_wait3A_892 : memref<1x400x128xf32, #tpu.memory_space<vmem>> -> memref<400x128xf32, #tpu.memory_space<vmem>>
        %dma_wait3A_894 = tpu.memref_slice %arg2[%mul3A_883, %mul3A_0] : memref<50000x256xf32, #tpu.memory_space<hbm>> -> memref<400x128xf32, #tpu.memory_space<hbm>>
        tpu.wait_dma2 semaphore(%arg9 : memref<!tpu.dma_semaphore, #tpu.memory_space<semaphore_mem>>) src(%dma_wait3A_894 : memref<400x128xf32, #tpu.memory_space<hbm>>) dst(%dma_wait3A_893 : memref<400x128xf32, #tpu.memory_space<vmem>>)
        %mul3A_895 = arith.constant 5 : i32
        %mul3A_896 = arith.muli %add3A_837, %mul3A_895 : i32
        %add3A_897 = arith.constant 0 : i32
        %add3A_898 = arith.addi %mul3A_896, %add3A_897 : i32
        %dma_start3A_899 = arith.constant 0 : i32
        %dma_start3A_900 = arith.constant 0 : i32
        %dma_start3A_901 = arith.constant 0 : i32
        %dma_start3A_902 = arith.constant 0 : i32
        %dma_start3A_903 = tpu.memref_slice %arg6[%dma_start3A_899, %dma_start3A_901, %dma_start3A_902] : memref<2x400x128xf32, #tpu.memory_space<vmem>> -> memref<1x80x128xf32, #tpu.memory_space<vmem>>
        %dma_start3A_904 = tpu.memref_squeeze %dma_start3A_903 : memref<1x80x128xf32, #tpu.memory_space<vmem>> -> memref<80x128xf32, #tpu.memory_space<vmem>>
        %dma_start3A_905 = arith.constant 0 : i32
        %dma_start3A_906 = tpu.memref_slice %arg5[%add3A_898, %dma_start3A_900, %dma_start3A_905] : memref<15x1x80xi32, #tpu.memory_space<vmem>> -> memref<1x1x80xi32, #tpu.memory_space<vmem>>
        %dma_start3A_907 = tpu.memref_squeeze %dma_start3A_906 : memref<1x1x80xi32, #tpu.memory_space<vmem>> -> memref<80xi32, #tpu.memory_space<vmem>>
        %dma_start3A_908 = arith.constant 0 : i32
        %dma_start3A_909 = arith.constant 0 : i32
        %dma_start3A_910 = tpu.memref_slice %arg8[%dma_start3A_908, %dma_start3A_909] : memref<128x128xf32, #tpu.memory_space<vmem_shared>> -> memref<128x128xf32, #tpu.memory_space<vmem_shared>>
        tpu.enqueue_indirect_dma source(%dma_start3A_904 : memref<80x128xf32, #tpu.memory_space<vmem>>) target(%dma_start3A_910 : memref<128x128xf32, #tpu.memory_space<vmem_shared>>) offsets(%dma_start3A_907 : memref<80xi32, #tpu.memory_space<vmem>>) semaphore(%arg11 : memref<!tpu.dma_semaphore, #tpu.memory_space<semaphore_mem>>) {add = true}
        %mul3A_911 = arith.constant 5 : i32
        %mul3A_912 = arith.muli %add3A_837, %mul3A_911 : i32
        %add3A_913 = arith.constant 1 : i32
        %add3A_914 = arith.addi %mul3A_912, %add3A_913 : i32
        %dma_start3A_915 = arith.constant 0 : i32
        %dma_start3A_916 = arith.constant 0 : i32
        %dma_start3A_917 = arith.constant 80 : i32
        %dma_start3A_918 = arith.constant 0 : i32
        %dma_start3A_919 = tpu.memref_slice %arg6[%dma_start3A_915, %dma_start3A_917, %dma_start3A_918] : memref<2x400x128xf32, #tpu.memory_space<vmem>> -> memref<1x80x128xf32, #tpu.memory_space<vmem>>
        %dma_start3A_920 = tpu.memref_squeeze %dma_start3A_919 : memref<1x80x128xf32, #tpu.memory_space<vmem>> -> memref<80x128xf32, #tpu.memory_space<vmem>>
        %dma_start3A_921 = arith.constant 0 : i32
        %dma_start3A_922 = tpu.memref_slice %arg5[%add3A_914, %dma_start3A_916, %dma_start3A_921] : memref<15x1x80xi32, #tpu.memory_space<vmem>> -> memref<1x1x80xi32, #tpu.memory_space<vmem>>
        %dma_start3A_923 = tpu.memref_squeeze %dma_start3A_922 : memref<1x1x80xi32, #tpu.memory_space<vmem>> -> memref<80xi32, #tpu.memory_space<vmem>>
        %dma_start3A_924 = arith.constant 0 : i32
        %dma_start3A_925 = arith.constant 0 : i32
        %dma_start3A_926 = tpu.memref_slice %arg8[%dma_start3A_924, %dma_start3A_925] : memref<128x128xf32, #tpu.memory_space<vmem_shared>> -> memref<128x128xf32, #tpu.memory_space<vmem_shared>>
        tpu.enqueue_indirect_dma source(%dma_start3A_920 : memref<80x128xf32, #tpu.memory_space<vmem>>) target(%dma_start3A_926 : memref<128x128xf32, #tpu.memory_space<vmem_shared>>) offsets(%dma_start3A_923 : memref<80xi32, #tpu.memory_space<vmem>>) semaphore(%arg11 : memref<!tpu.dma_semaphore, #tpu.memory_space<semaphore_mem>>) {add = true}
        %mul3A_927 = arith.constant 5 : i32
        %mul3A_928 = arith.muli %add3A_837, %mul3A_927 : i32
        %add3A_929 = arith.constant 2 : i32
        %add3A_930 = arith.addi %mul3A_928, %add3A_929 : i32
        %dma_start3A_931 = arith.constant 0 : i32
        %dma_start3A_932 = arith.constant 0 : i32
        %dma_start3A_933 = arith.constant 160 : i32
        %dma_start3A_934 = arith.constant 0 : i32
        %dma_start3A_935 = tpu.memref_slice %arg6[%dma_start3A_931, %dma_start3A_933, %dma_start3A_934] : memref<2x400x128xf32, #tpu.memory_space<vmem>> -> memref<1x80x128xf32, #tpu.memory_space<vmem>>
        %dma_start3A_936 = tpu.memref_squeeze %dma_start3A_935 : memref<1x80x128xf32, #tpu.memory_space<vmem>> -> memref<80x128xf32, #tpu.memory_space<vmem>>
        %dma_start3A_937 = arith.constant 0 : i32
        %dma_start3A_938 = tpu.memref_slice %arg5[%add3A_930, %dma_start3A_932, %dma_start3A_937] : memref<15x1x80xi32, #tpu.memory_space<vmem>> -> memref<1x1x80xi32, #tpu.memory_space<vmem>>
        %dma_start3A_939 = tpu.memref_squeeze %dma_start3A_938 : memref<1x1x80xi32, #tpu.memory_space<vmem>> -> memref<80xi32, #tpu.memory_space<vmem>>
        %dma_start3A_940 = arith.constant 0 : i32
        %dma_start3A_941 = arith.constant 0 : i32
        %dma_start3A_942 = tpu.memref_slice %arg8[%dma_start3A_940, %dma_start3A_941] : memref<128x128xf32, #tpu.memory_space<vmem_shared>> -> memref<128x128xf32, #tpu.memory_space<vmem_shared>>
        tpu.enqueue_indirect_dma source(%dma_start3A_936 : memref<80x128xf32, #tpu.memory_space<vmem>>) target(%dma_start3A_942 : memref<128x128xf32, #tpu.memory_space<vmem_shared>>) offsets(%dma_start3A_939 : memref<80xi32, #tpu.memory_space<vmem>>) semaphore(%arg11 : memref<!tpu.dma_semaphore, #tpu.memory_space<semaphore_mem>>) {add = true}
        %mul3A_943 = arith.constant 5 : i32
        %mul3A_944 = arith.muli %add3A_837, %mul3A_943 : i32
        %add3A_945 = arith.constant 3 : i32
        %add3A_946 = arith.addi %mul3A_944, %add3A_945 : i32
        %dma_start3A_947 = arith.constant 0 : i32
        %dma_start3A_948 = arith.constant 0 : i32
        %dma_start3A_949 = arith.constant 240 : i32
        %dma_start3A_950 = arith.constant 0 : i32
        %dma_start3A_951 = tpu.memref_slice %arg6[%dma_start3A_947, %dma_start3A_949, %dma_start3A_950] : memref<2x400x128xf32, #tpu.memory_space<vmem>> -> memref<1x80x128xf32, #tpu.memory_space<vmem>>
        %dma_start3A_952 = tpu.memref_squeeze %dma_start3A_951 : memref<1x80x128xf32, #tpu.memory_space<vmem>> -> memref<80x128xf32, #tpu.memory_space<vmem>>
        %dma_start3A_953 = arith.constant 0 : i32
        %dma_start3A_954 = tpu.memref_slice %arg5[%add3A_946, %dma_start3A_948, %dma_start3A_953] : memref<15x1x80xi32, #tpu.memory_space<vmem>> -> memref<1x1x80xi32, #tpu.memory_space<vmem>>
        %dma_start3A_955 = tpu.memref_squeeze %dma_start3A_954 : memref<1x1x80xi32, #tpu.memory_space<vmem>> -> memref<80xi32, #tpu.memory_space<vmem>>
        %dma_start3A_956 = arith.constant 0 : i32
        %dma_start3A_957 = arith.constant 0 : i32
        %dma_start3A_958 = tpu.memref_slice %arg8[%dma_start3A_956, %dma_start3A_957] : memref<128x128xf32, #tpu.memory_space<vmem_shared>> -> memref<128x128xf32, #tpu.memory_space<vmem_shared>>
        tpu.enqueue_indirect_dma source(%dma_start3A_952 : memref<80x128xf32, #tpu.memory_space<vmem>>) target(%dma_start3A_958 : memref<128x128xf32, #tpu.memory_space<vmem_shared>>) offsets(%dma_start3A_955 : memref<80xi32, #tpu.memory_space<vmem>>) semaphore(%arg11 : memref<!tpu.dma_semaphore, #tpu.memory_space<semaphore_mem>>) {add = true}
        %mul3A_959 = arith.constant 5 : i32
        %mul3A_960 = arith.muli %add3A_837, %mul3A_959 : i32
        %add3A_961 = arith.constant 4 : i32
        %add3A_962 = arith.addi %mul3A_960, %add3A_961 : i32
        %dma_start3A_963 = arith.constant 0 : i32
        %dma_start3A_964 = arith.constant 0 : i32
        %dma_start3A_965 = arith.constant 320 : i32
        %dma_start3A_966 = arith.constant 0 : i32
        %dma_start3A_967 = tpu.memref_slice %arg6[%dma_start3A_963, %dma_start3A_965, %dma_start3A_966] : memref<2x400x128xf32, #tpu.memory_space<vmem>> -> memref<1x80x128xf32, #tpu.memory_space<vmem>>
        %dma_start3A_968 = tpu.memref_squeeze %dma_start3A_967 : memref<1x80x128xf32, #tpu.memory_space<vmem>> -> memref<80x128xf32, #tpu.memory_space<vmem>>
        %dma_start3A_969 = arith.constant 0 : i32
        %dma_start3A_970 = tpu.memref_slice %arg5[%add3A_962, %dma_start3A_964, %dma_start3A_969] : memref<15x1x80xi32, #tpu.memory_space<vmem>> -> memref<1x1x80xi32, #tpu.memory_space<vmem>>
        %dma_start3A_971 = tpu.memref_squeeze %dma_start3A_970 : memref<1x1x80xi32, #tpu.memory_space<vmem>> -> memref<80xi32, #tpu.memory_space<vmem>>
        %dma_start3A_972 = arith.constant 0 : i32
        %dma_start3A_973 = arith.constant 0 : i32
        %dma_start3A_974 = tpu.memref_slice %arg8[%dma_start3A_972, %dma_start3A_973] : memref<128x128xf32, #tpu.memory_space<vmem_shared>> -> memref<128x128xf32, #tpu.memory_space<vmem_shared>>
        tpu.enqueue_indirect_dma source(%dma_start3A_968 : memref<80x128xf32, #tpu.memory_space<vmem>>) target(%dma_start3A_974 : memref<128x128xf32, #tpu.memory_space<vmem_shared>>) offsets(%dma_start3A_971 : memref<80xi32, #tpu.memory_space<vmem>>) semaphore(%arg11 : memref<!tpu.dma_semaphore, #tpu.memory_space<semaphore_mem>>) {add = true}
      } else {
      }
      %ge3A = arith.constant 1 : i32
      %ge3A_840 = arith.cmpi sge, %add3A_837, %ge3A : i32
      %sub3A = arith.constant 1 : i32
      %sub3A_841 = arith.subi %add3A_837, %sub3A : i32
      %lt3A_842 = arith.constant 3 : i32
      %lt3A_843 = arith.cmpi slt, %sub3A_841, %lt3A_842 : i32
      %and3A = arith.andi %ge3A_840, %lt3A_843 : i1
      %convert_element_type3A_844 = arith.extui %and3A : i1 to i32
      %cond3A_845 = arith.constant 0 : i32
      %cond3A_846 = arith.cmpi ne, %convert_element_type3A_844, %cond3A_845 : i32
      scf.if %cond3A_846 {
        %sub3A_880 = arith.constant 1 : i32
        %sub3A_881 = arith.subi %add3A_837, %sub3A_880 : i32
        %mul3A_882 = arith.constant 5 : i32
        %mul3A_883 = arith.muli %sub3A_881, %mul3A_882 : i32
        %add3A_884 = arith.constant 0 : i32
        %add3A_885 = arith.addi %mul3A_883, %add3A_884 : i32
        %dma_wait3A_886 = arith.constant 1 : i32
        %dma_wait3A_887 = arith.constant 0 : i32
        %dma_wait3A_888 = arith.constant 0 : i32
        %dma_wait3A_889 = arith.constant 0 : i32
        %dma_wait3A_890 = tpu.memref_slice %arg6[%dma_wait3A_886, %dma_wait3A_888, %dma_wait3A_889] : memref<2x400x128xf32, #tpu.memory_space<vmem>> -> memref<1x80x128xf32, #tpu.memory_space<vmem>>
        %dma_wait3A_891 = tpu.memref_squeeze %dma_wait3A_890 : memref<1x80x128xf32, #tpu.memory_space<vmem>> -> memref<80x128xf32, #tpu.memory_space<vmem>>
        %dma_wait3A_892 = arith.constant 0 : i32
        %dma_wait3A_893 = tpu.memref_slice %arg5[%add3A_885, %dma_wait3A_887, %dma_wait3A_892] : memref<15x1x80xi32, #tpu.memory_space<vmem>> -> memref<1x1x80xi32, #tpu.memory_space<vmem>>
        %dma_wait3A_894 = tpu.memref_squeeze %dma_wait3A_893 : memref<1x1x80xi32, #tpu.memory_space<vmem>> -> memref<80xi32, #tpu.memory_space<vmem>>
        %dma_wait3A_895 = arith.constant 0 : i32
        %dma_wait3A_896 = arith.constant 0 : i32
        %dma_wait3A_897 = tpu.memref_slice %arg8[%dma_wait3A_895, %dma_wait3A_896] : memref<128x128xf32, #tpu.memory_space<vmem_shared>> -> memref<128x128xf32, #tpu.memory_space<vmem_shared>>
        tpu.wait_indirect_dma semaphore(%arg12 : memref<!tpu.dma_semaphore, #tpu.memory_space<semaphore_mem>>) src(%dma_wait3A_891 : memref<80x128xf32, #tpu.memory_space<vmem>>) dst(%dma_wait3A_897 : memref<128x128xf32, #tpu.memory_space<vmem_shared>>)
        %mul3A_898 = arith.constant 5 : i32
        %mul3A_899 = arith.muli %sub3A_881, %mul3A_898 : i32
        %add3A_900 = arith.constant 1 : i32
        %add3A_901 = arith.addi %mul3A_899, %add3A_900 : i32
        %dma_wait3A_902 = arith.constant 1 : i32
        %dma_wait3A_903 = arith.constant 0 : i32
        %dma_wait3A_904 = arith.constant 80 : i32
        %dma_wait3A_905 = arith.constant 0 : i32
        %dma_wait3A_906 = tpu.memref_slice %arg6[%dma_wait3A_902, %dma_wait3A_904, %dma_wait3A_905] : memref<2x400x128xf32, #tpu.memory_space<vmem>> -> memref<1x80x128xf32, #tpu.memory_space<vmem>>
        %dma_wait3A_907 = tpu.memref_squeeze %dma_wait3A_906 : memref<1x80x128xf32, #tpu.memory_space<vmem>> -> memref<80x128xf32, #tpu.memory_space<vmem>>
        %dma_wait3A_908 = arith.constant 0 : i32
        %dma_wait3A_909 = tpu.memref_slice %arg5[%add3A_901, %dma_wait3A_903, %dma_wait3A_908] : memref<15x1x80xi32, #tpu.memory_space<vmem>> -> memref<1x1x80xi32, #tpu.memory_space<vmem>>
        %dma_wait3A_910 = tpu.memref_squeeze %dma_wait3A_909 : memref<1x1x80xi32, #tpu.memory_space<vmem>> -> memref<80xi32, #tpu.memory_space<vmem>>
        %dma_wait3A_911 = arith.constant 0 : i32
        %dma_wait3A_912 = arith.constant 0 : i32
        %dma_wait3A_913 = tpu.memref_slice %arg8[%dma_wait3A_911, %dma_wait3A_912] : memref<128x128xf32, #tpu.memory_space<vmem_shared>> -> memref<128x128xf32, #tpu.memory_space<vmem_shared>>
        tpu.wait_indirect_dma semaphore(%arg12 : memref<!tpu.dma_semaphore, #tpu.memory_space<semaphore_mem>>) src(%dma_wait3A_907 : memref<80x128xf32, #tpu.memory_space<vmem>>) dst(%dma_wait3A_913 : memref<128x128xf32, #tpu.memory_space<vmem_shared>>)
        %mul3A_914 = arith.constant 5 : i32
        %mul3A_915 = arith.muli %sub3A_881, %mul3A_914 : i32
        %add3A_916 = arith.constant 2 : i32
        %add3A_917 = arith.addi %mul3A_915, %add3A_916 : i32
        %dma_wait3A_918 = arith.constant 1 : i32
        %dma_wait3A_919 = arith.constant 0 : i32
        %dma_wait3A_920 = arith.constant 160 : i32
        %dma_wait3A_921 = arith.constant 0 : i32
        %dma_wait3A_922 = tpu.memref_slice %arg6[%dma_wait3A_918, %dma_wait3A_920, %dma_wait3A_921] : memref<2x400x128xf32, #tpu.memory_space<vmem>> -> memref<1x80x128xf32, #tpu.memory_space<vmem>>
        %dma_wait3A_923 = tpu.memref_squeeze %dma_wait3A_922 : memref<1x80x128xf32, #tpu.memory_space<vmem>> -> memref<80x128xf32, #tpu.memory_space<vmem>>
        %dma_wait3A_924 = arith.constant 0 : i32
        %dma_wait3A_925 = tpu.memref_slice %arg5[%add3A_917, %dma_wait3A_919, %dma_wait3A_924] : memref<15x1x80xi32, #tpu.memory_space<vmem>> -> memref<1x1x80xi32, #tpu.memory_space<vmem>>
        %dma_wait3A_926 = tpu.memref_squeeze %dma_wait3A_925 : memref<1x1x80xi32, #tpu.memory_space<vmem>> -> memref<80xi32, #tpu.memory_space<vmem>>
        %dma_wait3A_927 = arith.constant 0 : i32
        %dma_wait3A_928 = arith.constant 0 : i32
        %dma_wait3A_929 = tpu.memref_slice %arg8[%dma_wait3A_927, %dma_wait3A_928] : memref<128x128xf32, #tpu.memory_space<vmem_shared>> -> memref<128x128xf32, #tpu.memory_space<vmem_shared>>
        tpu.wait_indirect_dma semaphore(%arg12 : memref<!tpu.dma_semaphore, #tpu.memory_space<semaphore_mem>>) src(%dma_wait3A_923 : memref<80x128xf32, #tpu.memory_space<vmem>>) dst(%dma_wait3A_929 : memref<128x128xf32, #tpu.memory_space<vmem_shared>>)
        %mul3A_930 = arith.constant 5 : i32
        %mul3A_931 = arith.muli %sub3A_881, %mul3A_930 : i32
        %add3A_932 = arith.constant 3 : i32
        %add3A_933 = arith.addi %mul3A_931, %add3A_932 : i32
        %dma_wait3A_934 = arith.constant 1 : i32
        %dma_wait3A_935 = arith.constant 0 : i32
        %dma_wait3A_936 = arith.constant 240 : i32
        %dma_wait3A_937 = arith.constant 0 : i32
        %dma_wait3A_938 = tpu.memref_slice %arg6[%dma_wait3A_934, %dma_wait3A_936, %dma_wait3A_937] : memref<2x400x128xf32, #tpu.memory_space<vmem>> -> memref<1x80x128xf32, #tpu.memory_space<vmem>>
        %dma_wait3A_939 = tpu.memref_squeeze %dma_wait3A_938 : memref<1x80x128xf32, #tpu.memory_space<vmem>> -> memref<80x128xf32, #tpu.memory_space<vmem>>
        %dma_wait3A_940 = arith.constant 0 : i32
        %dma_wait3A_941 = tpu.memref_slice %arg5[%add3A_933, %dma_wait3A_935, %dma_wait3A_940] : memref<15x1x80xi32, #tpu.memory_space<vmem>> -> memref<1x1x80xi32, #tpu.memory_space<vmem>>
        %dma_wait3A_942 = tpu.memref_squeeze %dma_wait3A_941 : memref<1x1x80xi32, #tpu.memory_space<vmem>> -> memref<80xi32, #tpu.memory_space<vmem>>
        %dma_wait3A_943 = arith.constant 0 : i32
        %dma_wait3A_944 = arith.constant 0 : i32
        %dma_wait3A_945 = tpu.memref_slice %arg8[%dma_wait3A_943, %dma_wait3A_944] : memref<128x128xf32, #tpu.memory_space<vmem_shared>> -> memref<128x128xf32, #tpu.memory_space<vmem_shared>>
        tpu.wait_indirect_dma semaphore(%arg12 : memref<!tpu.dma_semaphore, #tpu.memory_space<semaphore_mem>>) src(%dma_wait3A_939 : memref<80x128xf32, #tpu.memory_space<vmem>>) dst(%dma_wait3A_945 : memref<128x128xf32, #tpu.memory_space<vmem_shared>>)
        %mul3A_946 = arith.constant 5 : i32
        %mul3A_947 = arith.muli %sub3A_881, %mul3A_946 : i32
        %add3A_948 = arith.constant 4 : i32
        %add3A_949 = arith.addi %mul3A_947, %add3A_948 : i32
        %dma_wait3A_950 = arith.constant 1 : i32
        %dma_wait3A_951 = arith.constant 0 : i32
        %dma_wait3A_952 = arith.constant 320 : i32
        %dma_wait3A_953 = arith.constant 0 : i32
        %dma_wait3A_954 = tpu.memref_slice %arg6[%dma_wait3A_950, %dma_wait3A_952, %dma_wait3A_953] : memref<2x400x128xf32, #tpu.memory_space<vmem>> -> memref<1x80x128xf32, #tpu.memory_space<vmem>>
        %dma_wait3A_955 = tpu.memref_squeeze %dma_wait3A_954 : memref<1x80x128xf32, #tpu.memory_space<vmem>> -> memref<80x128xf32, #tpu.memory_space<vmem>>
        %dma_wait3A_956 = arith.constant 0 : i32
        %dma_wait3A_957 = tpu.memref_slice %arg5[%add3A_949, %dma_wait3A_951, %dma_wait3A_956] : memref<15x1x80xi32, #tpu.memory_space<vmem>> -> memref<1x1x80xi32, #tpu.memory_space<vmem>>
        %dma_wait3A_958 = tpu.memref_squeeze %dma_wait3A_957 : memref<1x1x80xi32, #tpu.memory_space<vmem>> -> memref<80xi32, #tpu.memory_space<vmem>>
        %dma_wait3A_959 = arith.constant 0 : i32
        %dma_wait3A_960 = arith.constant 0 : i32
        %dma_wait3A_961 = tpu.memref_slice %arg8[%dma_wait3A_959, %dma_wait3A_960] : memref<128x128xf32, #tpu.memory_space<vmem_shared>> -> memref<128x128xf32, #tpu.memory_space<vmem_shared>>
        tpu.wait_indirect_dma semaphore(%arg12 : memref<!tpu.dma_semaphore, #tpu.memory_space<semaphore_mem>>) src(%dma_wait3A_955 : memref<80x128xf32, #tpu.memory_space<vmem>>) dst(%dma_wait3A_961 : memref<128x128xf32, #tpu.memory_space<vmem_shared>>)
      } else {
      }
      %add3A_847 = arith.constant 1 : i32
      %add3A_848 = arith.addi %add3A_837, %add3A_847 : i32
      %lt3A_849 = arith.constant 3 : i32
      %lt3A_850 = arith.cmpi slt, %add3A_848, %lt3A_849 : i32
      %convert_element_type3A_851 = arith.extui %lt3A_850 : i1 to i32
      %cond3A_852 = arith.constant 0 : i32
      %cond3A_853 = arith.cmpi ne, %convert_element_type3A_851, %cond3A_852 : i32
      scf.if %cond3A_853 {
        %add3A_880 = arith.constant 1 : i32
        %add3A_881 = arith.addi %add3A_837, %add3A_880 : i32
        %mul3A_882 = arith.constant 5 : i32
        %mul3A_883 = arith.muli %add3A_881, %mul3A_882 : i32
        %add3A_884 = arith.addi %add3A_3, %mul3A_883 : i32
        %mul3A_885 = arith.constant 80 : i32
        %mul3A_886 = arith.muli %add3A_884, %mul3A_885 : i32
        %dma_start3A_887 = arith.constant 1 : i32
        %dma_start3A_888 = arith.constant 0 : i32
        %dma_start3A_889 = arith.constant 0 : i32
        %dma_start3A_890 = tpu.memref_slice %arg6[%dma_start3A_887, %dma_start3A_888, %dma_start3A_889] : memref<2x400x128xf32, #tpu.memory_space<vmem>> -> memref<1x400x128xf32, #tpu.memory_space<vmem>>
        %dma_start3A_891 = tpu.memref_squeeze %dma_start3A_890 : memref<1x400x128xf32, #tpu.memory_space<vmem>> -> memref<400x128xf32, #tpu.memory_space<vmem>>
        %dma_start3A_892 = tpu.memref_slice %arg2[%mul3A_886, %mul3A_0] : memref<50000x256xf32, #tpu.memory_space<hbm>> -> memref<400x128xf32, #tpu.memory_space<hbm>>
        %dma_start3A_893 = arith.constant 0 : i32
        %dma_start3A_894 = arith.constant 0 : i32
        %dma_start3A_895 = tpu.memref_slice %arg6[%dma_start3A_887, %dma_start3A_893, %dma_start3A_894] : memref<2x400x128xf32, #tpu.memory_space<vmem>> -> memref<1x400x128xf32, #tpu.memory_space<vmem>>
        %dma_start3A_896 = tpu.memref_squeeze %dma_start3A_895 : memref<1x400x128xf32, #tpu.memory_space<vmem>> -> memref<400x128xf32, #tpu.memory_space<vmem>>
        %dma_start3A_897 = tpu.memref_slice %arg2[%mul3A_886, %mul3A_0] : memref<50000x256xf32, #tpu.memory_space<hbm>> -> memref<400x128xf32, #tpu.memory_space<hbm>>
        tpu.enqueue_dma source(%dma_start3A_897 : memref<400x128xf32, #tpu.memory_space<hbm>>) target(%dma_start3A_896 : memref<400x128xf32, #tpu.memory_space<vmem>>) target_semaphore(%arg10 : memref<!tpu.dma_semaphore, #tpu.memory_space<semaphore_mem>>)
      } else {
      }
      %mul3A_854 = arith.constant 2 : i32
      %mul3A_855 = arith.muli %mul3A_854, %scan3A_833 : i32
      %add3A_856 = arith.constant 1 : i32
      %add3A_857 = arith.addi %mul3A_855, %add3A_856 : i32
      %lt3A_858 = arith.constant 3 : i32
      %lt3A_859 = arith.cmpi slt, %add3A_857, %lt3A_858 : i32
      %convert_element_type3A_860 = arith.extui %lt3A_859 : i1 to i32
      %cond3A_861 = arith.constant 0 : i32
      %cond3A_862 = arith.cmpi ne, %convert_element_type3A_860, %cond3A_861 : i32
      scf.if %cond3A_862 {
        %add3A_880 = arith.constant 0 : i32
        %add3A_881 = arith.addi %add3A_3, %add3A_880 : i32
        %mul3A_882 = arith.constant 80 : i32
        %mul3A_883 = arith.muli %add3A_881, %mul3A_882 : i32
        %dma_wait3A_884 = arith.constant 1 : i32
        %dma_wait3A_885 = arith.constant 0 : i32
        %dma_wait3A_886 = arith.constant 0 : i32
        %dma_wait3A_887 = tpu.memref_slice %arg6[%dma_wait3A_884, %dma_wait3A_885, %dma_wait3A_886] : memref<2x400x128xf32, #tpu.memory_space<vmem>> -> memref<1x400x128xf32, #tpu.memory_space<vmem>>
        %dma_wait3A_888 = tpu.memref_squeeze %dma_wait3A_887 : memref<1x400x128xf32, #tpu.memory_space<vmem>> -> memref<400x128xf32, #tpu.memory_space<vmem>>
        %dma_wait3A_889 = tpu.memref_slice %arg2[%mul3A_883, %mul3A_0] : memref<50000x256xf32, #tpu.memory_space<hbm>> -> memref<400x128xf32, #tpu.memory_space<hbm>>
        %dma_wait3A_890 = arith.constant 0 : i32
        %dma_wait3A_891 = arith.constant 0 : i32
        %dma_wait3A_892 = tpu.memref_slice %arg6[%dma_wait3A_884, %dma_wait3A_890, %dma_wait3A_891] : memref<2x400x128xf32, #tpu.memory_space<vmem>> -> memref<1x400x128xf32, #tpu.memory_space<vmem>>
        %dma_wait3A_893 = tpu.memref_squeeze %dma_wait3A_892 : memref<1x400x128xf32, #tpu.memory_space<vmem>> -> memref<400x128xf32, #tpu.memory_space<vmem>>
        %dma_wait3A_894 = tpu.memref_slice %arg2[%mul3A_883, %mul3A_0] : memref<50000x256xf32, #tpu.memory_space<hbm>> -> memref<400x128xf32, #tpu.memory_space<hbm>>
        tpu.wait_dma2 semaphore(%arg10 : memref<!tpu.dma_semaphore, #tpu.memory_space<semaphore_mem>>) src(%dma_wait3A_894 : memref<400x128xf32, #tpu.memory_space<hbm>>) dst(%dma_wait3A_893 : memref<400x128xf32, #tpu.memory_space<vmem>>)
        %mul3A_895 = arith.constant 5 : i32
        %mul3A_896 = arith.muli %add3A_857, %mul3A_895 : i32
        %add3A_897 = arith.constant 0 : i32
        %add3A_898 = arith.addi %mul3A_896, %add3A_897 : i32
        %dma_start3A_899 = arith.constant 1 : i32
        %dma_start3A_900 = arith.constant 0 : i32
        %dma_start3A_901 = arith.constant 0 : i32
        %dma_start3A_902 = arith.constant 0 : i32
        %dma_start3A_903 = tpu.memref_slice %arg6[%dma_start3A_899, %dma_start3A_901, %dma_start3A_902] : memref<2x400x128xf32, #tpu.memory_space<vmem>> -> memref<1x80x128xf32, #tpu.memory_space<vmem>>
        %dma_start3A_904 = tpu.memref_squeeze %dma_start3A_903 : memref<1x80x128xf32, #tpu.memory_space<vmem>> -> memref<80x128xf32, #tpu.memory_space<vmem>>
        %dma_start3A_905 = arith.constant 0 : i32
        %dma_start3A_906 = tpu.memref_slice %arg5[%add3A_898, %dma_start3A_900, %dma_start3A_905] : memref<15x1x80xi32, #tpu.memory_space<vmem>> -> memref<1x1x80xi32, #tpu.memory_space<vmem>>
        %dma_start3A_907 = tpu.memref_squeeze %dma_start3A_906 : memref<1x1x80xi32, #tpu.memory_space<vmem>> -> memref<80xi32, #tpu.memory_space<vmem>>
        %dma_start3A_908 = arith.constant 0 : i32
        %dma_start3A_909 = arith.constant 0 : i32
        %dma_start3A_910 = tpu.memref_slice %arg8[%dma_start3A_908, %dma_start3A_909] : memref<128x128xf32, #tpu.memory_space<vmem_shared>> -> memref<128x128xf32, #tpu.memory_space<vmem_shared>>
        tpu.enqueue_indirect_dma source(%dma_start3A_904 : memref<80x128xf32, #tpu.memory_space<vmem>>) target(%dma_start3A_910 : memref<128x128xf32, #tpu.memory_space<vmem_shared>>) offsets(%dma_start3A_907 : memref<80xi32, #tpu.memory_space<vmem>>) semaphore(%arg12 : memref<!tpu.dma_semaphore, #tpu.memory_space<semaphore_mem>>) {add = true}
        %mul3A_911 = arith.constant 5 : i32
        %mul3A_912 = arith.muli %add3A_857, %mul3A_911 : i32
        %add3A_913 = arith.constant 1 : i32
        %add3A_914 = arith.addi %mul3A_912, %add3A_913 : i32
        %dma_start3A_915 = arith.constant 1 : i32
        %dma_start3A_916 = arith.constant 0 : i32
        %dma_start3A_917 = arith.constant 80 : i32
        %dma_start3A_918 = arith.constant 0 : i32
        %dma_start3A_919 = tpu.memref_slice %arg6[%dma_start3A_915, %dma_start3A_917, %dma_start3A_918] : memref<2x400x128xf32, #tpu.memory_space<vmem>> -> memref<1x80x128xf32, #tpu.memory_space<vmem>>
        %dma_start3A_920 = tpu.memref_squeeze %dma_start3A_919 : memref<1x80x128xf32, #tpu.memory_space<vmem>> -> memref<80x128xf32, #tpu.memory_space<vmem>>
        %dma_start3A_921 = arith.constant 0 : i32
        %dma_start3A_922 = tpu.memref_slice %arg5[%add3A_914, %dma_start3A_916, %dma_start3A_921] : memref<15x1x80xi32, #tpu.memory_space<vmem>> -> memref<1x1x80xi32, #tpu.memory_space<vmem>>
        %dma_start3A_923 = tpu.memref_squeeze %dma_start3A_922 : memref<1x1x80xi32, #tpu.memory_space<vmem>> -> memref<80xi32, #tpu.memory_space<vmem>>
        %dma_start3A_924 = arith.constant 0 : i32
        %dma_start3A_925 = arith.constant 0 : i32
        %dma_start3A_926 = tpu.memref_slice %arg8[%dma_start3A_924, %dma_start3A_925] : memref<128x128xf32, #tpu.memory_space<vmem_shared>> -> memref<128x128xf32, #tpu.memory_space<vmem_shared>>
        tpu.enqueue_indirect_dma source(%dma_start3A_920 : memref<80x128xf32, #tpu.memory_space<vmem>>) target(%dma_start3A_926 : memref<128x128xf32, #tpu.memory_space<vmem_shared>>) offsets(%dma_start3A_923 : memref<80xi32, #tpu.memory_space<vmem>>) semaphore(%arg12 : memref<!tpu.dma_semaphore, #tpu.memory_space<semaphore_mem>>) {add = true}
        %mul3A_927 = arith.constant 5 : i32
        %mul3A_928 = arith.muli %add3A_857, %mul3A_927 : i32
        %add3A_929 = arith.constant 2 : i32
        %add3A_930 = arith.addi %mul3A_928, %add3A_929 : i32
        %dma_start3A_931 = arith.constant 1 : i32
        %dma_start3A_932 = arith.constant 0 : i32
        %dma_start3A_933 = arith.constant 160 : i32
        %dma_start3A_934 = arith.constant 0 : i32
        %dma_start3A_935 = tpu.memref_slice %arg6[%dma_start3A_931, %dma_start3A_933, %dma_start3A_934] : memref<2x400x128xf32, #tpu.memory_space<vmem>> -> memref<1x80x128xf32, #tpu.memory_space<vmem>>
        %dma_start3A_936 = tpu.memref_squeeze %dma_start3A_935 : memref<1x80x128xf32, #tpu.memory_space<vmem>> -> memref<80x128xf32, #tpu.memory_space<vmem>>
        %dma_start3A_937 = arith.constant 0 : i32
        %dma_start3A_938 = tpu.memref_slice %arg5[%add3A_930, %dma_start3A_932, %dma_start3A_937] : memref<15x1x80xi32, #tpu.memory_space<vmem>> -> memref<1x1x80xi32, #tpu.memory_space<vmem>>
        %dma_start3A_939 = tpu.memref_squeeze %dma_start3A_938 : memref<1x1x80xi32, #tpu.memory_space<vmem>> -> memref<80xi32, #tpu.memory_space<vmem>>
        %dma_start3A_940 = arith.constant 0 : i32
        %dma_start3A_941 = arith.constant 0 : i32
        %dma_start3A_942 = tpu.memref_slice %arg8[%dma_start3A_940, %dma_start3A_941] : memref<128x128xf32, #tpu.memory_space<vmem_shared>> -> memref<128x128xf32, #tpu.memory_space<vmem_shared>>
        tpu.enqueue_indirect_dma source(%dma_start3A_936 : memref<80x128xf32, #tpu.memory_space<vmem>>) target(%dma_start3A_942 : memref<128x128xf32, #tpu.memory_space<vmem_shared>>) offsets(%dma_start3A_939 : memref<80xi32, #tpu.memory_space<vmem>>) semaphore(%arg12 : memref<!tpu.dma_semaphore, #tpu.memory_space<semaphore_mem>>) {add = true}
        %mul3A_943 = arith.constant 5 : i32
        %mul3A_944 = arith.muli %add3A_857, %mul3A_943 : i32
        %add3A_945 = arith.constant 3 : i32
        %add3A_946 = arith.addi %mul3A_944, %add3A_945 : i32
        %dma_start3A_947 = arith.constant 1 : i32
        %dma_start3A_948 = arith.constant 0 : i32
        %dma_start3A_949 = arith.constant 240 : i32
        %dma_start3A_950 = arith.constant 0 : i32
        %dma_start3A_951 = tpu.memref_slice %arg6[%dma_start3A_947, %dma_start3A_949, %dma_start3A_950] : memref<2x400x128xf32, #tpu.memory_space<vmem>> -> memref<1x80x128xf32, #tpu.memory_space<vmem>>
        %dma_start3A_952 = tpu.memref_squeeze %dma_start3A_951 : memref<1x80x128xf32, #tpu.memory_space<vmem>> -> memref<80x128xf32, #tpu.memory_space<vmem>>
        %dma_start3A_953 = arith.constant 0 : i32
        %dma_start3A_954 = tpu.memref_slice %arg5[%add3A_946, %dma_start3A_948, %dma_start3A_953] : memref<15x1x80xi32, #tpu.memory_space<vmem>> -> memref<1x1x80xi32, #tpu.memory_space<vmem>>
        %dma_start3A_955 = tpu.memref_squeeze %dma_start3A_954 : memref<1x1x80xi32, #tpu.memory_space<vmem>> -> memref<80xi32, #tpu.memory_space<vmem>>
        %dma_start3A_956 = arith.constant 0 : i32
        %dma_start3A_957 = arith.constant 0 : i32
        %dma_start3A_958 = tpu.memref_slice %arg8[%dma_start3A_956, %dma_start3A_957] : memref<128x128xf32, #tpu.memory_space<vmem_shared>> -> memref<128x128xf32, #tpu.memory_space<vmem_shared>>
        tpu.enqueue_indirect_dma source(%dma_start3A_952 : memref<80x128xf32, #tpu.memory_space<vmem>>) target(%dma_start3A_958 : memref<128x128xf32, #tpu.memory_space<vmem_shared>>) offsets(%dma_start3A_955 : memref<80xi32, #tpu.memory_space<vmem>>) semaphore(%arg12 : memref<!tpu.dma_semaphore, #tpu.memory_space<semaphore_mem>>) {add = true}
        %mul3A_959 = arith.constant 5 : i32
        %mul3A_960 = arith.muli %add3A_857, %mul3A_959 : i32
        %add3A_961 = arith.constant 4 : i32
        %add3A_962 = arith.addi %mul3A_960, %add3A_961 : i32
        %dma_start3A_963 = arith.constant 1 : i32
        %dma_start3A_964 = arith.constant 0 : i32
        %dma_start3A_965 = arith.constant 320 : i32
        %dma_start3A_966 = arith.constant 0 : i32
        %dma_start3A_967 = tpu.memref_slice %arg6[%dma_start3A_963, %dma_start3A_965, %dma_start3A_966] : memref<2x400x128xf32, #tpu.memory_space<vmem>> -> memref<1x80x128xf32, #tpu.memory_space<vmem>>
        %dma_start3A_968 = tpu.memref_squeeze %dma_start3A_967 : memref<1x80x128xf32, #tpu.memory_space<vmem>> -> memref<80x128xf32, #tpu.memory_space<vmem>>
        %dma_start3A_969 = arith.constant 0 : i32
        %dma_start3A_970 = tpu.memref_slice %arg5[%add3A_962, %dma_start3A_964, %dma_start3A_969] : memref<15x1x80xi32, #tpu.memory_space<vmem>> -> memref<1x1x80xi32, #tpu.memory_space<vmem>>
        %dma_start3A_971 = tpu.memref_squeeze %dma_start3A_970 : memref<1x1x80xi32, #tpu.memory_space<vmem>> -> memref<80xi32, #tpu.memory_space<vmem>>
        %dma_start3A_972 = arith.constant 0 : i32
        %dma_start3A_973 = arith.constant 0 : i32
        %dma_start3A_974 = tpu.memref_slice %arg8[%dma_start3A_972, %dma_start3A_973] : memref<128x128xf32, #tpu.memory_space<vmem_shared>> -> memref<128x128xf32, #tpu.memory_space<vmem_shared>>
        tpu.enqueue_indirect_dma source(%dma_start3A_968 : memref<80x128xf32, #tpu.memory_space<vmem>>) target(%dma_start3A_974 : memref<128x128xf32, #tpu.memory_space<vmem_shared>>) offsets(%dma_start3A_971 : memref<80xi32, #tpu.memory_space<vmem>>) semaphore(%arg12 : memref<!tpu.dma_semaphore, #tpu.memory_space<semaphore_mem>>) {add = true}
      } else {
      }
      %ge3A_863 = arith.constant 1 : i32
      %ge3A_864 = arith.cmpi sge, %add3A_857, %ge3A_863 : i32
      %sub3A_865 = arith.constant 1 : i32
      %sub3A_866 = arith.subi %add3A_857, %sub3A_865 : i32
      %lt3A_867 = arith.constant 3 : i32
      %lt3A_868 = arith.cmpi slt, %sub3A_866, %lt3A_867 : i32
      %and3A_869 = arith.andi %ge3A_864, %lt3A_868 : i1
      %convert_element_type3A_870 = arith.extui %and3A_869 : i1 to i32
      %cond3A_871 = arith.constant 0 : i32
      %cond3A_872 = arith.cmpi ne, %convert_element_type3A_870, %cond3A_871 : i32
      scf.if %cond3A_872 {
        %sub3A_880 = arith.constant 1 : i32
        %sub3A_881 = arith.subi %add3A_857, %sub3A_880 : i32
        %mul3A_882 = arith.constant 5 : i32
        %mul3A_883 = arith.muli %sub3A_881, %mul3A_882 : i32
        %add3A_884 = arith.constant 0 : i32
        %add3A_885 = arith.addi %mul3A_883, %add3A_884 : i32
        %dma_wait3A_886 = arith.constant 0 : i32
        %dma_wait3A_887 = arith.constant 0 : i32
        %dma_wait3A_888 = arith.constant 0 : i32
        %dma_wait3A_889 = arith.constant 0 : i32
        %dma_wait3A_890 = tpu.memref_slice %arg6[%dma_wait3A_886, %dma_wait3A_888, %dma_wait3A_889] : memref<2x400x128xf32, #tpu.memory_space<vmem>> -> memref<1x80x128xf32, #tpu.memory_space<vmem>>
        %dma_wait3A_891 = tpu.memref_squeeze %dma_wait3A_890 : memref<1x80x128xf32, #tpu.memory_space<vmem>> -> memref<80x128xf32, #tpu.memory_space<vmem>>
        %dma_wait3A_892 = arith.constant 0 : i32
        %dma_wait3A_893 = tpu.memref_slice %arg5[%add3A_885, %dma_wait3A_887, %dma_wait3A_892] : memref<15x1x80xi32, #tpu.memory_space<vmem>> -> memref<1x1x80xi32, #tpu.memory_space<vmem>>
        %dma_wait3A_894 = tpu.memref_squeeze %dma_wait3A_893 : memref<1x1x80xi32, #tpu.memory_space<vmem>> -> memref<80xi32, #tpu.memory_space<vmem>>
        %dma_wait3A_895 = arith.constant 0 : i32
        %dma_wait3A_896 = arith.constant 0 : i32
        %dma_wait3A_897 = tpu.memref_slice %arg8[%dma_wait3A_895, %dma_wait3A_896] : memref<128x128xf32, #tpu.memory_space<vmem_shared>> -> memref<128x128xf32, #tpu.memory_space<vmem_shared>>
        tpu.wait_indirect_dma semaphore(%arg11 : memref<!tpu.dma_semaphore, #tpu.memory_space<semaphore_mem>>) src(%dma_wait3A_891 : memref<80x128xf32, #tpu.memory_space<vmem>>) dst(%dma_wait3A_897 : memref<128x128xf32, #tpu.memory_space<vmem_shared>>)
        %mul3A_898 = arith.constant 5 : i32
        %mul3A_899 = arith.muli %sub3A_881, %mul3A_898 : i32
        %add3A_900 = arith.constant 1 : i32
        %add3A_901 = arith.addi %mul3A_899, %add3A_900 : i32
        %dma_wait3A_902 = arith.constant 0 : i32
        %dma_wait3A_903 = arith.constant 0 : i32
        %dma_wait3A_904 = arith.constant 80 : i32
        %dma_wait3A_905 = arith.constant 0 : i32
        %dma_wait3A_906 = tpu.memref_slice %arg6[%dma_wait3A_902, %dma_wait3A_904, %dma_wait3A_905] : memref<2x400x128xf32, #tpu.memory_space<vmem>> -> memref<1x80x128xf32, #tpu.memory_space<vmem>>
        %dma_wait3A_907 = tpu.memref_squeeze %dma_wait3A_906 : memref<1x80x128xf32, #tpu.memory_space<vmem>> -> memref<80x128xf32, #tpu.memory_space<vmem>>
        %dma_wait3A_908 = arith.constant 0 : i32
        %dma_wait3A_909 = tpu.memref_slice %arg5[%add3A_901, %dma_wait3A_903, %dma_wait3A_908] : memref<15x1x80xi32, #tpu.memory_space<vmem>> -> memref<1x1x80xi32, #tpu.memory_space<vmem>>
        %dma_wait3A_910 = tpu.memref_squeeze %dma_wait3A_909 : memref<1x1x80xi32, #tpu.memory_space<vmem>> -> memref<80xi32, #tpu.memory_space<vmem>>
        %dma_wait3A_911 = arith.constant 0 : i32
        %dma_wait3A_912 = arith.constant 0 : i32
        %dma_wait3A_913 = tpu.memref_slice %arg8[%dma_wait3A_911, %dma_wait3A_912] : memref<128x128xf32, #tpu.memory_space<vmem_shared>> -> memref<128x128xf32, #tpu.memory_space<vmem_shared>>
        tpu.wait_indirect_dma semaphore(%arg11 : memref<!tpu.dma_semaphore, #tpu.memory_space<semaphore_mem>>) src(%dma_wait3A_907 : memref<80x128xf32, #tpu.memory_space<vmem>>) dst(%dma_wait3A_913 : memref<128x128xf32, #tpu.memory_space<vmem_shared>>)
        %mul3A_914 = arith.constant 5 : i32
        %mul3A_915 = arith.muli %sub3A_881, %mul3A_914 : i32
        %add3A_916 = arith.constant 2 : i32
        %add3A_917 = arith.addi %mul3A_915, %add3A_916 : i32
        %dma_wait3A_918 = arith.constant 0 : i32
        %dma_wait3A_919 = arith.constant 0 : i32
        %dma_wait3A_920 = arith.constant 160 : i32
        %dma_wait3A_921 = arith.constant 0 : i32
        %dma_wait3A_922 = tpu.memref_slice %arg6[%dma_wait3A_918, %dma_wait3A_920, %dma_wait3A_921] : memref<2x400x128xf32, #tpu.memory_space<vmem>> -> memref<1x80x128xf32, #tpu.memory_space<vmem>>
        %dma_wait3A_923 = tpu.memref_squeeze %dma_wait3A_922 : memref<1x80x128xf32, #tpu.memory_space<vmem>> -> memref<80x128xf32, #tpu.memory_space<vmem>>
        %dma_wait3A_924 = arith.constant 0 : i32
        %dma_wait3A_925 = tpu.memref_slice %arg5[%add3A_917, %dma_wait3A_919, %dma_wait3A_924] : memref<15x1x80xi32, #tpu.memory_space<vmem>> -> memref<1x1x80xi32, #tpu.memory_space<vmem>>
        %dma_wait3A_926 = tpu.memref_squeeze %dma_wait3A_925 : memref<1x1x80xi32, #tpu.memory_space<vmem>> -> memref<80xi32, #tpu.memory_space<vmem>>
        %dma_wait3A_927 = arith.constant 0 : i32
        %dma_wait3A_928 = arith.constant 0 : i32
        %dma_wait3A_929 = tpu.memref_slice %arg8[%dma_wait3A_927, %dma_wait3A_928] : memref<128x128xf32, #tpu.memory_space<vmem_shared>> -> memref<128x128xf32, #tpu.memory_space<vmem_shared>>
        tpu.wait_indirect_dma semaphore(%arg11 : memref<!tpu.dma_semaphore, #tpu.memory_space<semaphore_mem>>) src(%dma_wait3A_923 : memref<80x128xf32, #tpu.memory_space<vmem>>) dst(%dma_wait3A_929 : memref<128x128xf32, #tpu.memory_space<vmem_shared>>)
        %mul3A_930 = arith.constant 5 : i32
        %mul3A_931 = arith.muli %sub3A_881, %mul3A_930 : i32
        %add3A_932 = arith.constant 3 : i32
        %add3A_933 = arith.addi %mul3A_931, %add3A_932 : i32
        %dma_wait3A_934 = arith.constant 0 : i32
        %dma_wait3A_935 = arith.constant 0 : i32
        %dma_wait3A_936 = arith.constant 240 : i32
        %dma_wait3A_937 = arith.constant 0 : i32
        %dma_wait3A_938 = tpu.memref_slice %arg6[%dma_wait3A_934, %dma_wait3A_936, %dma_wait3A_937] : memref<2x400x128xf32, #tpu.memory_space<vmem>> -> memref<1x80x128xf32, #tpu.memory_space<vmem>>
        %dma_wait3A_939 = tpu.memref_squeeze %dma_wait3A_938 : memref<1x80x128xf32, #tpu.memory_space<vmem>> -> memref<80x128xf32, #tpu.memory_space<vmem>>
        %dma_wait3A_940 = arith.constant 0 : i32
        %dma_wait3A_941 = tpu.memref_slice %arg5[%add3A_933, %dma_wait3A_935, %dma_wait3A_940] : memref<15x1x80xi32, #tpu.memory_space<vmem>> -> memref<1x1x80xi32, #tpu.memory_space<vmem>>
        %dma_wait3A_942 = tpu.memref_squeeze %dma_wait3A_941 : memref<1x1x80xi32, #tpu.memory_space<vmem>> -> memref<80xi32, #tpu.memory_space<vmem>>
        %dma_wait3A_943 = arith.constant 0 : i32
        %dma_wait3A_944 = arith.constant 0 : i32
        %dma_wait3A_945 = tpu.memref_slice %arg8[%dma_wait3A_943, %dma_wait3A_944] : memref<128x128xf32, #tpu.memory_space<vmem_shared>> -> memref<128x128xf32, #tpu.memory_space<vmem_shared>>
        tpu.wait_indirect_dma semaphore(%arg11 : memref<!tpu.dma_semaphore, #tpu.memory_space<semaphore_mem>>) src(%dma_wait3A_939 : memref<80x128xf32, #tpu.memory_space<vmem>>) dst(%dma_wait3A_945 : memref<128x128xf32, #tpu.memory_space<vmem_shared>>)
        %mul3A_946 = arith.constant 5 : i32
        %mul3A_947 = arith.muli %sub3A_881, %mul3A_946 : i32
        %add3A_948 = arith.constant 4 : i32
        %add3A_949 = arith.addi %mul3A_947, %add3A_948 : i32
        %dma_wait3A_950 = arith.constant 0 : i32
        %dma_wait3A_951 = arith.constant 0 : i32
        %dma_wait3A_952 = arith.constant 320 : i32
        %dma_wait3A_953 = arith.constant 0 : i32
        %dma_wait3A_954 = tpu.memref_slice %arg6[%dma_wait3A_950, %dma_wait3A_952, %dma_wait3A_953] : memref<2x400x128xf32, #tpu.memory_space<vmem>> -> memref<1x80x128xf32, #tpu.memory_space<vmem>>
        %dma_wait3A_955 = tpu.memref_squeeze %dma_wait3A_954 : memref<1x80x128xf32, #tpu.memory_space<vmem>> -> memref<80x128xf32, #tpu.memory_space<vmem>>
        %dma_wait3A_956 = arith.constant 0 : i32
        %dma_wait3A_957 = tpu.memref_slice %arg5[%add3A_949, %dma_wait3A_951, %dma_wait3A_956] : memref<15x1x80xi32, #tpu.memory_space<vmem>> -> memref<1x1x80xi32, #tpu.memory_space<vmem>>
        %dma_wait3A_958 = tpu.memref_squeeze %dma_wait3A_957 : memref<1x1x80xi32, #tpu.memory_space<vmem>> -> memref<80xi32, #tpu.memory_space<vmem>>
        %dma_wait3A_959 = arith.constant 0 : i32
        %dma_wait3A_960 = arith.constant 0 : i32
        %dma_wait3A_961 = tpu.memref_slice %arg8[%dma_wait3A_959, %dma_wait3A_960] : memref<128x128xf32, #tpu.memory_space<vmem_shared>> -> memref<128x128xf32, #tpu.memory_space<vmem_shared>>
        tpu.wait_indirect_dma semaphore(%arg11 : memref<!tpu.dma_semaphore, #tpu.memory_space<semaphore_mem>>) src(%dma_wait3A_955 : memref<80x128xf32, #tpu.memory_space<vmem>>) dst(%dma_wait3A_961 : memref<128x128xf32, #tpu.memory_space<vmem_shared>>)
      } else {
      }
      %add3A_873 = arith.constant 1 : i32
      %add3A_874 = arith.addi %add3A_857, %add3A_873 : i32
      %lt3A_875 = arith.constant 3 : i32
      %lt3A_876 = arith.cmpi slt, %add3A_874, %lt3A_875 : i32
      %convert_element_type3A_877 = arith.extui %lt3A_876 : i1 to i32
      %cond3A_878 = arith.constant 0 : i32
      %cond3A_879 = arith.cmpi ne, %convert_element_type3A_877, %cond3A_878 : i32
      scf.if %cond3A_879 {
        %add3A_880 = arith.constant 1 : i32
        %add3A_881 = arith.addi %add3A_857, %add3A_880 : i32
        %mul3A_882 = arith.constant 5 : i32
        %mul3A_883 = arith.muli %add3A_881, %mul3A_882 : i32
        %add3A_884 = arith.addi %add3A_3, %mul3A_883 : i32
        %mul3A_885 = arith.constant 80 : i32
        %mul3A_886 = arith.muli %add3A_884, %mul3A_885 : i32
        %dma_start3A_887 = arith.constant 0 : i32
        %dma_start3A_888 = arith.constant 0 : i32
        %dma_start3A_889 = arith.constant 0 : i32
        %dma_start3A_890 = tpu.memref_slice %arg6[%dma_start3A_887, %dma_start3A_888, %dma_start3A_889] : memref<2x400x128xf32, #tpu.memory_space<vmem>> -> memref<1x400x128xf32, #tpu.memory_space<vmem>>
        %dma_start3A_891 = tpu.memref_squeeze %dma_start3A_890 : memref<1x400x128xf32, #tpu.memory_space<vmem>> -> memref<400x128xf32, #tpu.memory_space<vmem>>
        %dma_start3A_892 = tpu.memref_slice %arg2[%mul3A_886, %mul3A_0] : memref<50000x256xf32, #tpu.memory_space<hbm>> -> memref<400x128xf32, #tpu.memory_space<hbm>>
        %dma_start3A_893 = arith.constant 0 : i32
        %dma_start3A_894 = arith.constant 0 : i32
        %dma_start3A_895 = tpu.memref_slice %arg6[%dma_start3A_887, %dma_start3A_893, %dma_start3A_894] : memref<2x400x128xf32, #tpu.memory_space<vmem>> -> memref<1x400x128xf32, #tpu.memory_space<vmem>>
        %dma_start3A_896 = tpu.memref_squeeze %dma_start3A_895 : memref<1x400x128xf32, #tpu.memory_space<vmem>> -> memref<400x128xf32, #tpu.memory_space<vmem>>
        %dma_start3A_897 = tpu.memref_slice %arg2[%mul3A_886, %mul3A_0] : memref<50000x256xf32, #tpu.memory_space<hbm>> -> memref<400x128xf32, #tpu.memory_space<hbm>>
        tpu.enqueue_dma source(%dma_start3A_897 : memref<400x128xf32, #tpu.memory_space<hbm>>) target(%dma_start3A_896 : memref<400x128xf32, #tpu.memory_space<vmem>>) target_semaphore(%arg9 : memref<!tpu.dma_semaphore, #tpu.memory_space<semaphore_mem>>)
      } else {
      }
    }
    %scan3A_827 = arith.constant 2 : i32
    %barrier3A_828 = arith.constant 0 : index
    tpu.barrier barrier_id(%barrier3A_828)
    %mul3A_829 = arith.constant 8 : i32
    %mul3A_830 = arith.muli %arg1, %mul3A_829 : i32
    "tpu.region"() ({
      %run_scoped3A = tpu.sem_alloc : memref<!tpu.dma_semaphore, #tpu.memory_space<semaphore_mem>>
      %dma_start3A_833 = arith.constant 0 : i32
      %dma_start3A_834 = tpu.memref_slice %arg8[%mul3A_830, %dma_start3A_833] : memref<128x128xf32, #tpu.memory_space<vmem_shared>> -> memref<8x128xf32, #tpu.memory_space<vmem_shared>>
      %dma_start3A_835 = arith.constant 0 : i32
      %dma_start3A_836 = tpu.memref_slice %arg8[%mul3A_830, %dma_start3A_835] : memref<128x128xf32, #tpu.memory_space<vmem_shared>> -> memref<8x128xf32, #tpu.memory_space<vmem_shared>>
      tpu.enqueue_dma source(%dma_start3A_836 : memref<8x128xf32, #tpu.memory_space<vmem_shared>>) target(%arg7 : memref<8x128xf32, #tpu.memory_space<vmem>>) target_semaphore(%run_scoped3A : memref<!tpu.dma_semaphore, #tpu.memory_space<semaphore_mem>>)
      %dma_wait3A_837 = arith.constant 0 : i32
      %dma_wait3A_838 = tpu.memref_slice %arg8[%mul3A_830, %dma_wait3A_837] : memref<128x128xf32, #tpu.memory_space<vmem_shared>> -> memref<8x128xf32, #tpu.memory_space<vmem_shared>>
      %dma_wait3A_839 = arith.constant 0 : i32
      %dma_wait3A_840 = tpu.memref_slice %arg8[%mul3A_830, %dma_wait3A_839] : memref<128x128xf32, #tpu.memory_space<vmem_shared>> -> memref<8x128xf32, #tpu.memory_space<vmem_shared>>
      tpu.wait_dma2 semaphore(%run_scoped3A : memref<!tpu.dma_semaphore, #tpu.memory_space<semaphore_mem>>) src(%dma_wait3A_840 : memref<8x128xf32, #tpu.memory_space<vmem_shared>>) dst(%arg7 : memref<8x128xf32, #tpu.memory_space<vmem>>)
      tpu.yield
    }) : () -> ()
    %mul3A_831 = arith.constant 8 : i32
    %mul3A_832 = arith.muli %arg1, %mul3A_831 : i32
    "tpu.region"() ({
      %run_scoped3A = tpu.sem_alloc : memref<!tpu.dma_semaphore, #tpu.memory_space<semaphore_mem>>
      %dma_start3A_833 = tpu.memref_slice %arg4[%mul3A_832, %mul3A_0] : memref<128x256xf32, #tpu.memory_space<hbm>> -> memref<8x128xf32, #tpu.memory_space<hbm>>
      %dma_start3A_834 = tpu.memref_slice %arg4[%mul3A_832, %mul3A_0] : memref<128x256xf32, #tpu.memory_space<hbm>> -> memref<8x128xf32, #tpu.memory_space<hbm>>
      tpu.enqueue_dma source(%arg7 : memref<8x128xf32, #tpu.memory_space<vmem>>) target(%dma_start3A_834 : memref<8x128xf32, #tpu.memory_space<hbm>>) target_semaphore(%run_scoped3A : memref<!tpu.dma_semaphore, #tpu.memory_space<semaphore_mem>>)
      %dma_wait3A_835 = tpu.memref_slice %arg4[%mul3A_832, %mul3A_0] : memref<128x256xf32, #tpu.memory_space<hbm>> -> memref<8x128xf32, #tpu.memory_space<hbm>>
      %dma_wait3A_836 = tpu.memref_slice %arg4[%mul3A_832, %mul3A_0] : memref<128x256xf32, #tpu.memory_space<hbm>> -> memref<8x128xf32, #tpu.memory_space<hbm>>
      tpu.wait_dma2 semaphore(%run_scoped3A : memref<!tpu.dma_semaphore, #tpu.memory_space<semaphore_mem>>) src(%arg7 : memref<8x128xf32, #tpu.memory_space<vmem>>) dst(%dma_wait3A_836 : memref<8x128xf32, #tpu.memory_space<hbm>>)
      tpu.yield
    }) : () -> ()
    return
  }
}

module attributes {stable_mosaic.version = 14 : i64} {
  func.func @_tc_pool_kernel(%arg0: i32, %arg1: memref<3080x256xf32, #tpu.memory_space<vmem>>, %arg2: memref<1x1x3080xi32, #tpu.memory_space<vmem>>, %arg3: memref<128x256xf32, #tpu.memory_space<vmem>>) attributes {dimension_semantics = [#tpu.dimension_semantics<arbitrary>], iteration_bounds = array<i64: 10>, scalar_prefetch = 0 : i64, scratch_operands = 0 : i64, tpu.core_type = #tpu.core_type<tc>, window_params = [{transform_indices = @transform_0, window_bounds = array<i64: 3080, 256>}, {transform_indices = @transform_1, window_bounds = array<i64: 1, 1, 3080>}, {pipeline_mode = #tpu.pipeline_mode<synchronous>, transform_indices = @transform_2, window_bounds = array<i64: 128, 256>}]} {
    %eq3A = arith.constant 0 : i32
    %eq3A_0 = arith.cmpi eq, %arg0, %eq3A : i32
    %convert_element_type3A = arith.extui %eq3A_0 : i1 to i32
    %cond3A = arith.constant 0 : i32
    %cond3A_1 = arith.cmpi ne, %convert_element_type3A, %cond3A : i32
    scf.if %cond3A_1 {
      %broadcast_in_dim3A_19 = arith.constant 0.000000e+00 : f32
      %broadcast_in_dim3A_20 = vector.broadcast %broadcast_in_dim3A_19 : f32 to vector<128x256xf32>
      %swap3A_21 = arith.constant 0 : index
      %swap3A_22 = arith.constant 0 : index
      %swap3A_23 = vector.load %arg3[%swap3A_21, %swap3A_22] : memref<128x256xf32, #tpu.memory_space<vmem>>, vector<128x256xf32>
      tpu.vector_store %arg3[%swap3A_21, %swap3A_22], %broadcast_in_dim3A_20 {strides = array<i32>} : memref<128x256xf32, #tpu.memory_space<vmem>>, vector<128x256xf32>,
    } else {
    }
    %iota3A = tpu.iota {dimensions = array<i32: 0>} : vector<128x3080xi32>
    %get3A = arith.constant 0 : index
    %get3A_2 = arith.constant 0 : index
    %get3A_3 = arith.constant 0 : index
    %get3A_4 = vector.load %arg2[%get3A, %get3A_2, %get3A_3] : memref<1x1x3080xi32, #tpu.memory_space<vmem>>, vector<1x1x3080xi32>
    %get3A_5 = vector.shape_cast %get3A_4 : vector<1x1x3080xi32> to vector<3080xi32>
    %broadcast_in_dim3A = vector.shape_cast %get3A_5 : vector<3080xi32> to vector<1x3080xi32>
    %eq3A_6 = vector.broadcast %broadcast_in_dim3A : vector<1x3080xi32> to vector<128x3080xi32>
    %eq3A_7 = arith.cmpi eq, %eq3A_6, %iota3A : vector<128x3080xi32>
    %convert_element_type3A_8 = arith.extui %eq3A_7 : vector<128x3080xi1> to vector<128x3080xi32>
    %convert_element_type3A_9 = arith.sitofp %convert_element_type3A_8 : vector<128x3080xi32> to vector<128x3080xf32>
    %get3A_10 = arith.constant 0 : index
    %get3A_11 = arith.constant 0 : index
    %get3A_12 = vector.load %arg3[%get3A_10, %get3A_11] : memref<128x256xf32, #tpu.memory_space<vmem>>, vector<128x256xf32>
    %get3A_13 = arith.constant 0 : index
    %get3A_14 = arith.constant 0 : index
    %get3A_15 = vector.load %arg1[%get3A_13, %get3A_14] : memref<3080x256xf32, #tpu.memory_space<vmem>>, vector<3080x256xf32>
    %dot_general3A = arith.constant dense<0.000000e+00> : vector<128x256xf32>
    %dot_general3A_16 = tpu.matmul %convert_element_type3A_9, %get3A_15, %dot_general3A {dimension_numbers = #tpu.dot_dimension_numbers<[1], [0], [0], [1], [0, 0, 1, 1], [], []>, transpose_lhs_hint = false} : vector<128x3080xf32>, vector<3080x256xf32>, vector<128x256xf32> -> vector<128x256xf32>
    %add3A = arith.addf %get3A_12, %dot_general3A_16 : vector<128x256xf32>
    %swap3A = arith.constant 0 : index
    %swap3A_17 = arith.constant 0 : index
    %swap3A_18 = vector.load %arg3[%swap3A, %swap3A_17] : memref<128x256xf32, #tpu.memory_space<vmem>>, vector<128x256xf32>
    tpu.vector_store %arg3[%swap3A, %swap3A_17], %add3A {strides = array<i32>} : memref<128x256xf32, #tpu.memory_space<vmem>>, vector<128x256xf32>,
    return
  }
  func.func @transform_0(%arg0: i32) -> (i32, i32) {
    %c0_i32 = arith.constant 0 : i32
    %c0_i32_0 = arith.constant 0 : i32
    return %arg0, %c0_i32 : i32, i32
  }
  func.func @transform_1(%arg0: i32) -> (i32, i32, i32) {
    %c0_i32 = arith.constant 0 : i32
    %c0_i32_0 = arith.constant 0 : i32
    %c0_i32_1 = arith.constant 0 : i32
    return %arg0, %c0_i32, %c0_i32_0 : i32, i32, i32
  }
  func.func @transform_2(%arg0: i32) -> (i32, i32) {
    %c0_i32 = arith.constant 0 : i32
    %c0_i32_0 = arith.constant 0 : i32
    %c0_i32_1 = arith.constant 0 : i32
    return %c0_i32, %c0_i32_0 : i32, i32
  }
}

</mosaic_0001>

<sc_bundles>
// kernel: kernel.4.cloned.1.call-start
scs
__scs_entry_jumppad:
0x0: {  	(pc) =	sbr.rel $0x88, $3  }
0x1: {  	(tag) =	ssettag $0x0;
	lr =	simm.s32 $0x1  }
0x2: {  	[smem:$0x3F9F] =	sst lr;
	_ =	strace $0xD0000000  }
0x3: {  	_ = 	snop  }
0x4: {  	_ = 	snop  }
0x5: {  	_ = 	snop  }
0x6: {  	_ = 	snop  }
0x7: {  	_ = 	snop  }
__scs_overlays_trampoline_lowered:
0x8: {  	[smem:$0x3FAE] =	sst s0  }
0x9: {  	[smem:$0x3FAF] =	sst s1  }
0xa: {  	[smem:$0x3FB0] =	sst s2  }
0xb: {  	[smem:$0x3FB1] =	sst s3  }
0xc: {  	[smem:$0x3FB2] =	sst s4  }
0xd: {  	[smem:$0x3FB3] =	sst s5  }
0xe: {  	[smem:$0x3FB4] =	sst s6  }
0xf: {  	[smem:$0x3FB5] =	sst s7  }
0x10: {  	[smem:$0x3FB6] =	sst s8  }
0x11: {  	[smem:$0x3FB7] =	sst s9;
	s0 =	simm.s32 @!p0 $0x0  }
0x12: {  	s1 =	sld [smem:$0x3F9D];
	s0 =	simm.s32 @p0 $0x1  }
0x13: {  	[smem:$0x3FB8] =	sst s0;
	s0 =	simm.s32 @!p1 $0x0  }
0x14: {  	s2 =	sld [smem:$0x3F9C];
	s0 =	simm.s32 @p1 $0x1  }
0x15: {  	[smem:$0x3FB9] =	sst s0;
	s0 =	simm.s32 @!p2 $0x0  }
0x16: {  	s3 =	sld [smem:$0x3FDB];
	s0 =	simm.s32 @p2 $0x1  }
0x17: {  	s4 =	simm.s32 $0x1BF5;
	[smem:$0x3FBB] =	sst s0  }
0x18: {  	s0 =	sld [smem:$0x3F9E];
	_ =	swait.ge [sflag:s4], $0x0  }
0x19: {  	s7 =	sld [smem:$0x3F9F]  }
0x1a: {  	s8 =	sadd.s32 $0xFFFFE003, lr  }
0x1b: {  	s9 =	sadd.s32 $0xFFFFFEF7, lr;
	s5 =	simm.s32 $0xFFFFFFFF;
	p2 =	slt.u32 s8, $0xFFFFF086  }
0x1c: {  	p1 =	slt.u32 s9, $0xF7A;
	s5 =	simm.s32 @!p2 $0x0  }
0x1d: {  	s5 =	simm.s32 @p1 $0x1;
	p0 =	seq.s32 s7, s2  }
0x1e: {  	s7 =	smul.u32 @!p0 $0xF7A, s2;
	p2 =	seq.s32 @!p0 s5, $0x0  }
0x1f: {  	s9 =	smul.u32 $0xF7A, s1;
	s8 =	simm.s32 @!p0 $0x1BF5;
	p2 =	por !p2, p0  }
0x20: {  	[sflag:s8] =	ssyncset.s32 @!p0 $0xFFFFF086;
	s6 =	sadd.s32 @!p0 s3, s7;
	s7 =	simm.s32 @!p0 $0x108  }
0x21: {  	s3 =	sadd.s32 s3, s9;
	s6 =	sadd.s32 @!p0 $0x88, s6;
	s7 =	simm.s32 @p2 $0x1082  }
0x22: {  	[simem:s7], [sflag:s8] =	dma.local @!p0 [hbm:s6], $0xF7A  }
0x23: {  	s9 =	sor.u32 $0xD0000000, s2;
	s6 =	simm.s32 $0x108;
	_ =	swait.ge @!p0 [sflag:s8], $0x0  }
0x24: {  	s3 =	sadd.s32 $0x88, s3;
	s6 =	simm.s32 @!p1 $0x1082;
	[sflag:s4] =	ssyncset.s32 $0xFFFFF086  }
0x25: {  	[simem:s6], [sflag:s4] =	dma.local [hbm:s3], $0xF7A  }
0x26: {  	[smem:$0x3F9F] =	sst s1;
	(tag) =	ssettag s2;
	_ =	strace s9  }
0x27: {  	s1 =	sld [smem:$0x3FAF]  }
0x28: {  	s2 =	sld [smem:$0x3FB0]  }
0x29: {  	s4 =	sld [smem:$0x3FB2]  }
0x2a: {  	p0 =	seq.s32 s5, $0x0;
	s5 =	sld [smem:$0x3FB3]  }
0x2b: {  	s6 =	sld [smem:$0x3FB4]  }
0x2c: {  	s7 =	sld [smem:$0x3FB5]  }
0x2d: {  	s3 =	simm.s32 $0x108;
	s8 =	sld [smem:$0x3FB6]  }
0x2e: {  	s3 =	simm.s32 @!p0 $0x1082;
	s9 =	sld [smem:$0x3FB7]  }
0x2f: {  	lr =	sadd.s32 s0, s3;
	s0 =	sld [smem:$0x3FAE]  }
0x30: {  	s3 =	sld [smem:$0x3FB1]  }
0x31: {  	[smem:$0x3FBA] =	sst s10  }
0x32: {  	s10 =	sld [smem:$0x3FB8];
	_ =	sdelay $0x3  }
0x33: {  	p0 =	seq.s32 s10, $0x1;
	s10 =	sld [smem:$0x3FBA];
	_ =	sdelay $0x3  }
0x34: {  	[smem:$0x3FBA] =	sst s10  }
0x35: {  	s10 =	sld [smem:$0x3FB9];
	_ =	sdelay $0x3  }
0x36: {  	p1 =	seq.s32 s10, $0x1;
	s10 =	sld [smem:$0x3FBA];
	_ =	sdelay $0x3  }
0x37: {  	[smem:$0x3FBA] =	sst s10  }
0x38: {  	s10 =	sld [smem:$0x3FBB]  }
0x39: {  	_ = 	snop;
	(pc) =	sbr.ind lr, $3  }
0x3a: {  	_ = 	snop  }
0x3b: {  	_ = 	snop  }
0x3c: {  	p2 =	seq.s32 s10, $0x1;
	s10 =	sld [smem:$0x3FBA]  }
0x3d: {  	_ =	shalt  }
0x3e: {  	_ =	shalt  }
0x3f: {  	_ =	shalt  }
0x40: {  	_ =	shalt  }
0x41: {  	_ =	shalt  }
0x42: {  	_ =	shalt  }
0x43: {  	_ =	shalt  }
0x44: {  	_ =	shalt  }
0x45: {  	_ =	shalt  }
0x46: {  	_ =	shalt  }
0x47: {  	_ =	shalt  }
0x48: {  	_ =	shalt  }
0x49: {  	_ =	shalt  }
0x4a: {  	_ =	shalt  }
0x4b: {  	_ =	shalt  }
0x4c: {  	_ =	shalt  }
0x4d: {  	_ =	shalt  }
0x4e: {  	_ =	shalt  }
0x4f: {  	_ =	shalt  }
0x50: {  	_ =	shalt  }
0x51: {  	_ =	shalt  }
0x52: {  	_ =	shalt  }
0x53: {  	_ =	shalt  }
0x54: {  	_ =	shalt  }
0x55: {  	_ =	shalt  }
0x56: {  	_ =	shalt  }
0x57: {  	_ =	shalt  }
0x58: {  	_ =	shalt  }
0x59: {  	_ =	shalt  }
0x5a: {  	_ =	shalt  }
0x5b: {  	_ =	shalt  }
0x5c: {  	_ =	shalt  }
0x5d: {  	_ =	shalt  }
0x5e: {  	_ =	shalt  }
0x5f: {  	_ =	shalt  }
0x60: {  	_ =	shalt  }
0x61: {  	_ =	shalt  }
0x62: {  	_ =	shalt  }
0x63: {  	_ =	shalt  }
0x64: {  	_ =	shalt  }
0x65: {  	_ =	shalt  }
0x66: {  	_ =	shalt  }
0x67: {  	_ =	shalt  }
0x68: {  	_ =	shalt  }
0x69: {  	_ =	shalt  }
0x6a: {  	_ =	shalt  }
0x6b: {  	_ =	shalt  }
0x6c: {  	_ =	shalt  }
0x6d: {  	_ =	shalt  }
0x6e: {  	_ =	shalt  }
0x6f: {  	_ =	shalt  }
0x70: {  	_ =	shalt  }
0x71: {  	_ =	shalt  }
0x72: {  	_ =	shalt  }
0x73: {  	_ =	shalt  }
0x74: {  	_ =	shalt  }
0x75: {  	_ =	shalt  }
0x76: {  	_ =	shalt  }
0x77: {  	_ =	shalt  }
0x78: {  	_ =	shalt  }
0x79: {  	_ =	shalt  }
0x7a: {  	_ =	shalt  }
0x7b: {  	_ =	shalt  }
0x7c: {  	_ =	shalt  }
0x7d: {  	_ =	shalt  }
0x7e: {  	_ =	shalt  }
0x7f: {  	_ =	shalt  }
0x80: {  	_ =	shalt  }
0x81: {  	_ =	shalt  }
0x82: {  	_ =	shalt  }
0x83: {  	_ =	shalt  }
0x84: {  	_ =	shalt  }
0x85: {  	_ =	shalt  }
0x86: {  	_ =	shalt  }
0x87: {  	_ =	shalt  }
.Lfunc_end0:
.L_simem_size_0:
called_computation_lowered:
.L_overlay_start_0:
0x88: {  	s2 =	sld [smem:$0x3FD9]  }
0x89: {  	s3 =	sld [smem:$0x3FFE];
	_ =	sdelay $0x1  }
0x8a: {  	s1 =	srdreg.scid  }
0x8b: {  	s0 =	sand.u32 $0x1, s1  }
0x8c: {  	s18 =	sshll.u32 s0, $0xA;
	s2 =	sadd.s32 s3, s2  }
0x8d: {  	s2 =	sadd.s32 s2, s18  }
0x8e: {  	[smem:$0x3FC6] =	sst s2  }
0x8f: {  	_ = 	snop  }
0x90: {  	s2 =	sld [smem:$0x3FC9]  }
0x91: {  	s19 =	sld [smem:$0x3FC8]  }
0x92: {  	s4 =	sld [smem:$0x3FD0];
	(tm) =	ssettm $0x1  }
0x93: {  	s5 =	sld [smem:$0x3FFB];
	_ =	sdelay $0x3  }
0x94: {  	_ =	strace s5  }
0x95: {  	s5 =	sld [smem:$0x3FFC];
	_ =	sdelay $0x3  }
0x96: {  	_ =	strace s5  }
0x97: {  	s5 =	sld [smem:$0x3FFD];
	_ =	sdelay $0x3  }
0x98: {  	_ =	strace s5  }
0x99: {  	_ =	strace $0x8FFFFFFF  }
0x9a: {  	s20 =	sld [smem:$0x3FDB];
	_ =	sdelay $0x1  }
0x9b: {  	s6 =	simm.s32 $_scs_section_size  }
0x9c: {  	s7 =	simm.s32 $_size__tile_overlayer_lowered;
	s8 =	simm.s32 $_tile_overlayer_lowered  }
0x9d: {  	s23 =	simm.s32 $0x1BFF;
	s22 =	sshll.u32 s8, $0x1;
	s5 =	sadd.s32 s6, s20  }
0x9e: {  	s9 =	simm.s32 $0x0;
	s21 =	sshll.u32 s7, $0x1;
	s7 =	sadd.s32 s22, s5  }
0x9f: {  	[timem:s9], [sflag:s23] =	dma.local [hbm:s7], s21  }
0xa0: {  	_ =	swait.ge [sflag:s23], s21  }
0xa1: {  	s6 =	ssub.s32 $0x0, s21;
	[sflag:s23] =	ssyncset.done $0x0  }
0xa2: {  	[sflag:s23] =	ssyncadd.s32 s6;
	_ =	sdelay $0x1  }
0xa3: {  	s24 =	simm.s32 $0x1B8B  }
0xa4: {  	_ =	swait.ge [sflag:s24], $0x1  }
0xa5: {  	[sflag:s24] =	ssyncset.done $0x0  }
0xa6: {  	s25 =	simm.s32 $0x1B8E;
	[sflag:s24] =	ssyncadd.s32 $0xFFFFFFFF  }
0xa7: {  	s26 =	simm.s32 $execute0_lowered;
	[smem:$0x3FD2] =	sst s25  }
0xa8: {  	s6 =	sshll.u32 s26, $0x1;
	_ =	strace $0x80000046;
	[dreg:$0x1] =	wrdreg $0xFFFFFFFF  }
0xa9: {  	s28 =	simm.s32 $_size_execute0_lowered;
	s5 =	sadd.s32 s5, s6;
	[dreg:$0x0] =	wrdreg $0x0  }
0xaa: {  	s6 =	sshll.u32 s28, $0x1;
	[dreg:$0x2] =	wrdreg s5  }
0xab: {  	[dreg:$0x3] =	wrdreg s6  }
0xac: {  	[dreg:$0x4] =	wrdreg $0xC0  }
0xad: {  	_ =	task [dreg:s9], $0x5FFFF  }
0xae: {  	[dreg:$0x1] =	wrdreg $0xFFFFFFFF  }
0xaf: {  	[dreg:$0x0] =	wrdreg $0x60  }
0xb0: {  	[dreg:$0x2] =	wrdreg s2  }
0xb1: {  	[dreg:$0x3] =	wrdreg s19  }
0xb2: {  	[dreg:$0x4] =	wrdreg s4  }
0xb3: {  	[dreg:$0x5] =	wrdreg $0x19B800  }
0xb4: {  	[dreg:$0x6] =	wrdreg $0x9  }
0xb5: {  	_ =	task.clear_ibuf [dreg:s9], $0x7FFFF;
	_ =	strace $0x90000046  }
0xb6: {  	s29 =	simm.s32 $0x9;
	_ =	strace $0x80000048  }
0xb7: {  	_ =	swait.ge [sflag:s29], $0x1  }
0xb8: {  	[sflag:s29] =	ssyncadd.s32 $0xFFFFFFFF  }
0xb9: {  	_ =	strace $0x90000048  }
0xba: {  	_ =	sfence  }
0xbb: {  	s30 =	sld [smem:$0x0];
	_ =	sdelay $0x2  }
0xbc: {  	s31 =	sshll.u32 s1, $0xD;
	s1 =	sshrl.u32 s1, $0x2  }
0xbd: {  	s3 =	sand.u32 $0x4000, s31;
	s1 =	sadd.s32 s1, s30  }
0xbe: {  	s0 =	sor.u32 s3, s0;
	s1 =	sshll.u32 s1, $0x11  }
0xbf: {  	s0 =	sor.u32 s1, s0  }
0xc0: {  	s0 =	sadd.s32 $0x8F2B, s0  }
0xc1: {  	[sflag:s0] =	ssyncadd.remote.s32 $0x1  }
0xc2: {  	_ =	sfence.sel $0xFFFF  }
0xc3: {  	[dreg:$0x0] =	wrdreg $0xFFFFFFFF;
	(pc) =	sbr.abs _section_cstart, $3  }
0xc4: {  	[dreg:$0x1] =	wrdreg $0xFFFFFFFF  }
0xc5: {  	_ =	task.clear_ibuf [dreg:s9], $0x2FFFF;
	_ =	strace $0x9FFFFFFF  }
0xc6: {  	(tm) =	ssettm $0x7FFFFFFF  }
0xc7: {  	_ =	shalt  }
tec
execute0_lowered:
.L_overlay_start_1:
0x0: {  	(tag) =	ssettag $0x1  }
0x1: {  	s10 =	stileid.u32;
	s1 =	rddreg [dreg:$0x0]  }
0x2: {  	s4 =	rddreg [dreg:$0x1];
	s2 =	smul.u32 $0xF, s10  }
0x3: {  	s0 =	rddreg [dreg:$0x2];
	s3 =	srdreg.scid;
	s28 =	simm.s32 $0x580  }
0x4: {  	s29 =	simm.s32 $0x600;
	s9 =	smul.u32 $0x4B0, s10;
	s5 =	sadd.s32 $0x181, s2  }
0x5: {  	s30 =	simm.s32 $0x680;
	s31 =	simm.s32 $0x700;
	s7 =	smul.u32 $0x5000, s5  }
0x6: {  	s6 =	sand.u32 $0x1, s3;
	s3 =	simm.s32 $0x0;
	s5 =	smul.u32 $0xA, s5  }
0x7: {  	s16 =	smul.u32 $0x4B000, s10;
	[smem:$0x7FF] =	sst s3;
	s9 =	sshrl.u32 s9, $0x3  }
0x8: {  	s2 =	rddreg [dreg:$0x3];
	s5 =	sadd.s32 s4, s5;
	s4 =	sadd.s32 s4, s9  }
0x9: {  	_ =	strace $0x80000047;
	[dreg:$0x6] =	wrdreg s5;
	s21 =	sadd.s32 $0xF14, s4  }
0xa: {  	s19 =	sshll.u32 s10, $0xA;
	s22 =	sadd.s32 $0xF1E, s4;
	[dreg:$0x7] =	wrdreg s21  }
0xb: {  	s8 =	sshll.u32 s6, $0xA;
	s23 =	sadd.s32 $0xF28, s4;
	[dreg:$0x8] =	wrdreg s22  }
0xc: {  	s6 =	ssub.s32 $0x2, s6;
	s24 =	sadd.s32 $0xF32, s4;
	[dreg:$0x9] =	wrdreg s23  }
0xd: {  	s13 =	sshrl.u32 s6, $0x1;
	s25 =	sadd.s32 $0xF3C, s4;
	[dreg:$0xa] =	wrdreg s24  }
0xe: {  	s18 =	sor.u32 s8, s16;
	s26 =	sadd.s32 $0xF46, s4;
	[dreg:$0xb] =	wrdreg s25  }
0xf: {  	s16 =	simm.s32 $0x200;
	s9 =	sadd.s32 $0xF5A, s4;
	[dreg:$0xc] =	wrdreg s26  }
0x10: {  	s6 =	ssub.s32 s6, s13;
	s11 =	sadd.s32 $0xF64, s4;
	[dreg:$0xe] =	wrdreg s9  }
0x11: {  	s20 =	sadd.s32 $0x79E000, s18;
	s12 =	sadd.s32 $0xF6E, s4;
	[dreg:$0xf] =	wrdreg s11  }
0x12: {  	s7 =	sor.u32 s8, s7;
	s14 =	sadd.s32 $0xF78, s4;
	[dreg:$0x10] =	wrdreg s12  }
0x13: {  	s7 =	sshrl.u32 s7, $0x3;
	s15 =	sadd.s32 $0xF82, s4;
	[dreg:$0x11] =	wrdreg s14  }
0x14: {  	s17 =	sadd.s32 $0xF8C, s4;
	s5 =	sadd.s32 $0x7B7000, s18;
	[dreg:$0x12] =	wrdreg s15  }
0x15: {  	s18 =	simm.s32 $0x300;
	s7 =	sadd.s32 s1, s7;
	[dreg:$0x13] =	wrdreg s17  }
0x16: {  	s21 =	sshll.u32 s10, $0xB;
	s5 =	sshrl.u32 s5, $0x3;
	s23 =	simm.s32 $0xF780  }
0x17: {  	s24 =	simm.s32 $0x11F80;
	s25 =	simm.s32 $0x14780;
	[dreg:$0x5] =	wrdreg s7  }
0x18: {  	s26 =	simm.s32 $0x16F80;
	s9 =	simm.s32 $0x3;
	[dreg:$0x18] =	wrdreg s23  }
0x19: {  	s10 =	simm.s32 $0x4;
	s17 =	simm.s32 $0x280;
	[dreg:$0x19] =	wrdreg s24  }
0x1a: {  	s7 =	sadd.s32 $0xF50, s4;
	s4 =	sadd.s32 $0xF96, s4;
	[dreg:$0x1a] =	wrdreg s25  }
0x1b: {  	s8 =	sor.u32 s8, s21;
	s23 =	simm.s32 $0x6;
	[dreg:$0x1b] =	wrdreg s26  }
0x1c: {  	s24 =	simm.s32 $0x5;
	s25 =	simm.s32 $0x1;
	[dreg:$0xd] =	wrdreg s7  }
0x1d: {  	s26 =	simm.s32 $0x50;
	s21 =	simm.s32 $0x500;
	[dreg:$0x14] =	wrdreg s4  }
0x1e: {  	s7 =	sshrl.u32 s20, $0x3;
	s22 =	sshrl.u32 s8, $0x3;
	s4 =	sadd.s32 s19, s2  }
0x1f: {  	s8 =	simm.s32 $0x780;
	s19 =	simm.s32 $0x380;
	s7 =	sadd.s32 s1, s7  }
0x20: {  	s20 =	simm.s32 $0x480;
	s1 =	sadd.s32 s1, s5;
	[dreg:$0x15] =	wrdreg s7  }
0x21: {  	s0 =	sadd.s32 s0, s22;
	s5 =	smax.u32 s6, $0x1;
	[dreg:$0x16] =	wrdreg s1  }
0x22: {  	s6 =	simm.s32 $0x400;
	s22 =	simm.s32 $0x19780;
	[dreg:$0x17] =	wrdreg s0  }
0x23: {  	v0 =	vimm.f32 $0.0e+00;
	s7 =	simm.s32 $0x800;
	s0 =	simm.s32 $0x2;
	s1 =	simm.s32 $0x2F80  }
.LBB2_1:
0x24: {  	s11 =	rddreg [dreg:$0x5]  }
0x25: {  	[tilespmem:s8], [sflag:$0x1] =	stream.strided.gather [hbm4b:s11+s6], $0xC800, s7, s6, $0x38;
	[tilespmem:$0x19F80] =	vst v63  }
0x26: {  	s12 =	rddreg [dreg:$0x6]  }
0x27: {  	[tilespmem:s3], [sflag:$0x5] =	stream.linear.gather [hbm4b:s12+s3], $0x50, $0x38;
	[tilespmem:$0x19F80] =	vst v63  }
0x28: {  	s14 =	rddreg [dreg:$0x7];
	s13 =	simm.s32 $0x80  }
0x29: {  	[tilespmem:s13], [sflag:$0x5] =	stream.linear.gather [hbm4b:s14+s3], $0x50, $0x38;
	[tilespmem:$0x19F80] =	vst v63  }
0x2a: {  	s15 =	rddreg [dreg:$0x8];
	s14 =	simm.s32 $0x100  }
0x2b: {  	[tilespmem:s14], [sflag:$0x5] =	stream.linear.gather [hbm4b:s15+s3], $0x50, $0x38;
	[tilespmem:$0x19F80] =	vst v63  }
0x2c: {  	s11 =	rddreg [dreg:$0x9];
	s15 =	simm.s32 $0x180  }
0x2d: {  	[tilespmem:s15], [sflag:$0x5] =	stream.linear.gather [hbm4b:s11+s3], $0x50, $0x38;
	[tilespmem:$0x19F80] =	vst v63  }
0x2e: {  	s12 =	rddreg [dreg:$0xa]  }
0x2f: {  	[tilespmem:s16], [sflag:$0x5] =	stream.linear.gather [hbm4b:s12+s3], $0x50, $0x38;
	[tilespmem:$0x19F80] =	vst v63  }
0x30: {  	s11 =	rddreg [dreg:$0xb]  }
0x31: {  	[tilespmem:s17], [sflag:$0x5] =	stream.linear.gather [hbm4b:s11+s3], $0x50, $0x38;
	[tilespmem:$0x19F80] =	vst v63  }
0x32: {  	s12 =	rddreg [dreg:$0xc]  }
0x33: {  	[tilespmem:s18], [sflag:$0x5] =	stream.linear.gather [hbm4b:s12+s3], $0x50, $0x38;
	[tilespmem:$0x19F80] =	vst v63  }
0x34: {  	s11 =	rddreg [dreg:$0xd]  }
0x35: {  	[tilespmem:s19], [sflag:$0x5] =	stream.linear.gather [hbm4b:s11+s3], $0x50, $0x38;
	[tilespmem:$0x19F80] =	vst v63  }
0x36: {  	s12 =	rddreg [dreg:$0xe]  }
0x37: {  	[tilespmem:s6], [sflag:$0x5] =	stream.linear.gather [hbm4b:s12+s3], $0x50, $0x38;
	[tilespmem:$0x19F80] =	vst v63  }
0x38: {  	s11 =	rddreg [dreg:$0xf]  }
0x39: {  	[tilespmem:s20], [sflag:$0x5] =	stream.linear.gather [hbm4b:s11+s3], $0x50, $0x38;
	[tilespmem:$0x19F80] =	vst v63  }
0x3a: {  	s12 =	rddreg [dreg:$0x10]  }
0x3b: {  	[tilespmem:s21], [sflag:$0x5] =	stream.linear.gather [hbm4b:s12+s3], $0x50, $0x38;
	[tilespmem:$0x19F80] =	vst v63  }
0x3c: {  	s11 =	rddreg [dreg:$0x11]  }
0x3d: {  	[tilespmem:s28], [sflag:$0x5] =	stream.linear.gather [hbm4b:s11+s3], $0x50, $0x38;
	[tilespmem:$0x19F80] =	vst v63  }
0x3e: {  	s12 =	rddreg [dreg:$0x12]  }
0x3f: {  	[tilespmem:s29], [sflag:$0x5] =	stream.linear.gather [hbm4b:s12+s3], $0x50, $0x38;
	[tilespmem:$0x19F80] =	vst v63  }
0x40: {  	s11 =	rddreg [dreg:$0x13]  }
0x41: {  	[tilespmem:s30], [sflag:$0x5] =	stream.linear.gather [hbm4b:s11+s3], $0x50, $0x38;
	[tilespmem:$0x19F80] =	vst v63  }
0x42: {  	s12 =	rddreg [dreg:$0x14]  }
0x43: {  	[tilespmem:s31], [sflag:$0x5] =	stream.linear.gather [hbm4b:s12+s3], $0x50, $0x38;
	[tilespmem:$0x19F80] =	vst v63  }
0x44: {  	[tilespmem:$0x19780] =	vst v0  }
0x45: {  	[tilespmem:$0x19790] =	vst v0  }
0x46: {  	[tilespmem:$0x197A0] =	vst v0  }
0x47: {  	[tilespmem:$0x197B0] =	vst v0  }
0x48: {  	[tilespmem:$0x197C0] =	vst v0  }
0x49: {  	[tilespmem:$0x197D0] =	vst v0  }
0x4a: {  	[tilespmem:$0x197E0] =	vst v0  }
0x4b: {  	[tilespmem:$0x197F0] =	vst v0  }
0x4c: {  	[tilespmem:$0x19800] =	vst v0  }
0x4d: {  	[tilespmem:$0x19810] =	vst v0  }
0x4e: {  	[tilespmem:$0x19820] =	vst v0  }
0x4f: {  	[tilespmem:$0x19830] =	vst v0  }
0x50: {  	[tilespmem:$0x19840] =	vst v0  }
0x51: {  	[tilespmem:$0x19850] =	vst v0  }
0x52: {  	[tilespmem:$0x19860] =	vst v0  }
0x53: {  	[tilespmem:$0x19870] =	vst v0  }
0x54: {  	[tilespmem:$0x19880] =	vst v0  }
0x55: {  	[tilespmem:$0x19890] =	vst v0  }
0x56: {  	[tilespmem:$0x198A0] =	vst v0  }
0x57: {  	[tilespmem:$0x198B0] =	vst v0  }
0x58: {  	[tilespmem:$0x198C0] =	vst v0  }
0x59: {  	[tilespmem:$0x198D0] =	vst v0  }
0x5a: {  	[tilespmem:$0x198E0] =	vst v0  }
0x5b: {  	[tilespmem:$0x198F0] =	vst v0  }
0x5c: {  	[tilespmem:$0x19900] =	vst v0  }
0x5d: {  	[tilespmem:$0x19910] =	vst v0  }
0x5e: {  	[tilespmem:$0x19920] =	vst v0  }
0x5f: {  	[tilespmem:$0x19930] =	vst v0  }
0x60: {  	[tilespmem:$0x19940] =	vst v0  }
0x61: {  	[tilespmem:$0x19950] =	vst v0  }
0x62: {  	[tilespmem:$0x19960] =	vst v0  }
0x63: {  	[tilespmem:$0x19970] =	vst v0  }
0x64: {  	[tilespmem:$0x19980] =	vst v0  }
0x65: {  	[tilespmem:$0x19990] =	vst v0  }
0x66: {  	[tilespmem:$0x199A0] =	vst v0  }
0x67: {  	[tilespmem:$0x199B0] =	vst v0  }
0x68: {  	[tilespmem:$0x199C0] =	vst v0  }
0x69: {  	[tilespmem:$0x199D0] =	vst v0  }
0x6a: {  	[tilespmem:$0x199E0] =	vst v0  }
0x6b: {  	[tilespmem:$0x199F0] =	vst v0  }
0x6c: {  	[tilespmem:$0x19A00] =	vst v0  }
0x6d: {  	[tilespmem:$0x19A10] =	vst v0  }
0x6e: {  	[tilespmem:$0x19A20] =	vst v0  }
0x6f: {  	[tilespmem:$0x19A30] =	vst v0  }
0x70: {  	[tilespmem:$0x19A40] =	vst v0  }
0x71: {  	[tilespmem:$0x19A50] =	vst v0  }
0x72: {  	[tilespmem:$0x19A60] =	vst v0  }
0x73: {  	[tilespmem:$0x19A70] =	vst v0  }
0x74: {  	[tilespmem:$0x19A80] =	vst v0  }
0x75: {  	[tilespmem:$0x19A90] =	vst v0  }
0x76: {  	[tilespmem:$0x19AA0] =	vst v0  }
0x77: {  	[tilespmem:$0x19AB0] =	vst v0  }
0x78: {  	[tilespmem:$0x19AC0] =	vst v0  }
0x79: {  	[tilespmem:$0x19AD0] =	vst v0  }
0x7a: {  	[tilespmem:$0x19AE0] =	vst v0  }
0x7b: {  	[tilespmem:$0x19AF0] =	vst v0  }
0x7c: {  	[tilespmem:$0x19B00] =	vst v0  }
0x7d: {  	[tilespmem:$0x19B10] =	vst v0  }
0x7e: {  	[tilespmem:$0x19B20] =	vst v0  }
0x7f: {  	[tilespmem:$0x19B30] =	vst v0  }
0x80: {  	[tilespmem:$0x19B40] =	vst v0  }
0x81: {  	[tilespmem:$0x19B50] =	vst v0  }
0x82: {  	[tilespmem:$0x19B60] =	vst v0  }
0x83: {  	[tilespmem:$0x19B70] =	vst v0  }
0x84: {  	[spmem:s4] =	stream.linear.scatter [tilespmem:s22], [sflag:$0x6], $0x400, $0x38;
	[tilespmem:$0x19F80] =	vst v63  }
0x85: {  	_ =	swait.ge [sflag:s23], $0x400  }
0x86: {  	[sflag:s23] =	ssyncset.done $0x0  }
0x87: {  	[sflag:s23] =	ssyncadd.s32 $0xFFFFFC00  }
0x88: {  	[bflag:$0x0] =	sbarrier.arrive $0xFFFF  }
0x89: {  	_ =	swait.ge [sflag:s24], $0x50  }
0x8a: {  	[sflag:s24] =	ssyncset.done $0x0  }
0x8b: {  	[sflag:s24] =	ssyncadd.s32 $0xFFFFFFB0  }
0x8c: {  	_ =	swait.ge [sflag:s24], $0x50  }
0x8d: {  	[sflag:s24] =	ssyncset.done $0x0  }
0x8e: {  	[sflag:s24] =	ssyncadd.s32 $0xFFFFFFB0  }
0x8f: {  	_ =	swait.ge [sflag:s24], $0x50  }
0x90: {  	[sflag:s24] =	ssyncset.done $0x0  }
0x91: {  	[sflag:s24] =	ssyncadd.s32 $0xFFFFFFB0  }
0x92: {  	_ =	swait.ge [sflag:s24], $0x50  }
0x93: {  	[sflag:s24] =	ssyncset.done $0x0  }
0x94: {  	[sflag:s24] =	ssyncadd.s32 $0xFFFFFFB0  }
0x95: {  	_ =	swait.ge [sflag:s24], $0x50  }
0x96: {  	[sflag:s24] =	ssyncset.done $0x0  }
0x97: {  	[sflag:s24] =	ssyncadd.s32 $0xFFFFFFB0  }
0x98: {  	_ =	swait.ge [sflag:s24], $0x50  }
0x99: {  	[sflag:s24] =	ssyncset.done $0x0  }
0x9a: {  	[sflag:s24] =	ssyncadd.s32 $0xFFFFFFB0  }
0x9b: {  	_ =	swait.ge [sflag:s24], $0x50  }
0x9c: {  	[sflag:s24] =	ssyncset.done $0x0  }
0x9d: {  	[sflag:s24] =	ssyncadd.s32 $0xFFFFFFB0  }
0x9e: {  	_ =	swait.ge [sflag:s24], $0x50  }
0x9f: {  	[sflag:s24] =	ssyncset.done $0x0  }
0xa0: {  	[sflag:s24] =	ssyncadd.s32 $0xFFFFFFB0  }
0xa1: {  	_ =	swait.ge [sflag:s24], $0x50  }
0xa2: {  	[sflag:s24] =	ssyncset.done $0x0  }
0xa3: {  	[sflag:s24] =	ssyncadd.s32 $0xFFFFFFB0  }
0xa4: {  	_ =	swait.ge [sflag:s24], $0x50  }
0xa5: {  	[sflag:s24] =	ssyncset.done $0x0  }
0xa6: {  	[sflag:s24] =	ssyncadd.s32 $0xFFFFFFB0  }
0xa7: {  	_ =	swait.ge [sflag:s24], $0x50  }
0xa8: {  	[sflag:s24] =	ssyncset.done $0x0  }
0xa9: {  	[sflag:s24] =	ssyncadd.s32 $0xFFFFFFB0  }
0xaa: {  	_ =	swait.ge [sflag:s24], $0x50  }
0xab: {  	[sflag:s24] =	ssyncset.done $0x0  }
0xac: {  	[sflag:s24] =	ssyncadd.s32 $0xFFFFFFB0  }
0xad: {  	_ =	swait.ge [sflag:s24], $0x50  }
0xae: {  	[sflag:s24] =	ssyncset.done $0x0  }
0xaf: {  	[sflag:s24] =	ssyncadd.s32 $0xFFFFFFB0  }
0xb0: {  	_ =	swait.ge [sflag:s24], $0x50  }
0xb1: {  	[sflag:s24] =	ssyncset.done $0x0  }
0xb2: {  	[sflag:s24] =	ssyncadd.s32 $0xFFFFFFB0  }
0xb3: {  	_ =	swait.ge [sflag:s24], $0x50  }
0xb4: {  	[sflag:s24] =	ssyncset.done $0x0  }
0xb5: {  	[sflag:s24] =	ssyncadd.s32 $0xFFFFFFB0  }
0xb6: {  	_ =	swait.ge [sflag:s25], $0xC800  }
0xb7: {  	[sflag:s25] =	ssyncset.done $0x0  }
0xb8: {  	[sflag:s25] =	ssyncadd.s32 $0xFFFF3800  }
0xb9: {  	[spmem:s2] =	stream.indirect.scatter.add.f32 [tilespmem:s8], [sflag:$0x3], $0x80, s3, s26, $0xb8;
	[tilespmem:$0x19F80] =	vst v63  }
0xba: {  	_ = 	snop  }
0xbb: {  	[spmem:s2] =	stream.indirect.scatter.add.f32 [tilespmem:s1], [sflag:$0x3], $0x80, s13, s26, $0xb8;
	[tilespmem:$0x19F80] =	vst v63  }
0xbc: {  	s13 =	simm.s32 $0x5780  }
0xbd: {  	[spmem:s2] =	stream.indirect.scatter.add.f32 [tilespmem:s13], [sflag:$0x3], $0x80, s14, s26, $0xb8;
	[tilespmem:$0x19F80] =	vst v63  }
0xbe: {  	s14 =	simm.s32 $0x7F80  }
0xbf: {  	[spmem:s2] =	stream.indirect.scatter.add.f32 [tilespmem:s14], [sflag:$0x3], $0x80, s15, s26, $0xb8;
	[tilespmem:$0x19F80] =	vst v63  }
0xc0: {  	s15 =	simm.s32 $0xA780  }
0xc1: {  	[spmem:s2] =	stream.indirect.scatter.add.f32 [tilespmem:s15], [sflag:$0x3], $0x80, s16, s26, $0xb8;
	[tilespmem:$0x19F80] =	vst v63  }
0xc2: {  	s12 =	simm.s32 $0xCF80;
	s11 =	rddreg [dreg:$0x15]  }
0xc3: {  	[tilespmem:s12], [sflag:$0x2] =	stream.strided.gather [hbm4b:s11+s6], $0xC800, s7, s6, $0x38;
	[tilespmem:$0x19F80] =	vst v63  }
0xc4: {  	_ =	swait.ge [sflag:s0], $0xC800  }
0xc5: {  	[sflag:s0] =	ssyncset.done $0x0  }
0xc6: {  	[sflag:s0] =	ssyncadd.s32 $0xFFFF3800  }
0xc7: {  	[spmem:s2] =	stream.indirect.scatter.add.f32 [tilespmem:s12], [sflag:$0x4], $0x80, s17, s26, $0xb8;
	[tilespmem:$0x19F80] =	vst v63  }
0xc8: {  	s11 =	rddreg [dreg:$0x18]  }
0xc9: {  	[spmem:s2] =	stream.indirect.scatter.add.f32 [tilespmem:s11], [sflag:$0x4], $0x80, s18, s26, $0xb8;
	[tilespmem:$0x19F80] =	vst v63  }
0xca: {  	s12 =	rddreg [dreg:$0x19]  }
0xcb: {  	[spmem:s2] =	stream.indirect.scatter.add.f32 [tilespmem:s12], [sflag:$0x4], $0x80, s19, s26, $0xb8;
	[tilespmem:$0x19F80] =	vst v63  }
0xcc: {  	s11 =	rddreg [dreg:$0x1a]  }
0xcd: {  	[spmem:s2] =	stream.indirect.scatter.add.f32 [tilespmem:s11], [sflag:$0x4], $0x80, s6, s26, $0xb8;
	[tilespmem:$0x19F80] =	vst v63  }
0xce: {  	s12 =	rddreg [dreg:$0x1b]  }
0xcf: {  	[spmem:s2] =	stream.indirect.scatter.add.f32 [tilespmem:s12], [sflag:$0x4], $0x80, s20, s26, $0xb8;
	[tilespmem:$0x19F80] =	vst v63  }
0xd0: {  	_ =	swait.ge [sflag:s9], $0x2800  }
0xd1: {  	[sflag:s9] =	ssyncset.done $0x0  }
0xd2: {  	[sflag:s9] =	ssyncadd.s32 $0xFFFFD800  }
0xd3: {  	_ =	swait.ge [sflag:s9], $0x2800  }
0xd4: {  	[sflag:s9] =	ssyncset.done $0x0  }
0xd5: {  	[sflag:s9] =	ssyncadd.s32 $0xFFFFD800  }
0xd6: {  	_ =	swait.ge [sflag:s9], $0x2800  }
0xd7: {  	[sflag:s9] =	ssyncset.done $0x0  }
0xd8: {  	[sflag:s9] =	ssyncadd.s32 $0xFFFFD800  }
0xd9: {  	_ =	swait.ge [sflag:s9], $0x2800  }
0xda: {  	[sflag:s9] =	ssyncset.done $0x0  }
0xdb: {  	[sflag:s9] =	ssyncadd.s32 $0xFFFFD800  }
0xdc: {  	_ =	swait.ge [sflag:s9], $0x2800  }
0xdd: {  	[sflag:s9] =	ssyncset.done $0x0  }
0xde: {  	s12 =	rddreg [dreg:$0x16];
	[sflag:s9] =	ssyncadd.s32 $0xFFFFD800  }
0xdf: {  	[tilespmem:s8], [sflag:$0x1] =	stream.strided.gather [hbm4b:s12+s6], $0xC800, s7, s6, $0x38;
	[tilespmem:$0x19F80] =	vst v63  }
0xe0: {  	_ =	swait.ge [sflag:s25], $0xC800  }
0xe1: {  	[sflag:s25] =	ssyncset.done $0x0  }
0xe2: {  	[sflag:s25] =	ssyncadd.s32 $0xFFFF3800  }
0xe3: {  	[spmem:s2] =	stream.indirect.scatter.add.f32 [tilespmem:s8], [sflag:$0x3], $0x80, s21, s26, $0xb8;
	[tilespmem:$0x19F80] =	vst v63  }
0xe4: {  	_ = 	snop  }
0xe5: {  	[spmem:s2] =	stream.indirect.scatter.add.f32 [tilespmem:s1], [sflag:$0x3], $0x80, s28, s26, $0xb8;
	[tilespmem:$0x19F80] =	vst v63  }
0xe6: {  	_ = 	snop  }
0xe7: {  	[spmem:s2] =	stream.indirect.scatter.add.f32 [tilespmem:s13], [sflag:$0x3], $0x80, s29, s26, $0xb8;
	[tilespmem:$0x19F80] =	vst v63  }
0xe8: {  	_ = 	snop  }
0xe9: {  	[spmem:s2] =	stream.indirect.scatter.add.f32 [tilespmem:s14], [sflag:$0x3], $0x80, s30, s26, $0xb8;
	[tilespmem:$0x19F80] =	vst v63  }
0xea: {  	_ = 	snop  }
0xeb: {  	[spmem:s2] =	stream.indirect.scatter.add.f32 [tilespmem:s15], [sflag:$0x3], $0x80, s31, s26, $0xb8;
	[tilespmem:$0x19F80] =	vst v63  }
0xec: {  	_ =	swait.ge [sflag:s10], $0x2800  }
0xed: {  	[sflag:s10] =	ssyncset.done $0x0  }
0xee: {  	[sflag:s10] =	ssyncadd.s32 $0xFFFFD800  }
0xef: {  	_ =	swait.ge [sflag:s10], $0x2800  }
0xf0: {  	[sflag:s10] =	ssyncset.done $0x0  }
0xf1: {  	[sflag:s10] =	ssyncadd.s32 $0xFFFFD800  }
0xf2: {  	_ =	swait.ge [sflag:s10], $0x2800  }
0xf3: {  	[sflag:s10] =	ssyncset.done $0x0  }
0xf4: {  	[sflag:s10] =	ssyncadd.s32 $0xFFFFD800  }
0xf5: {  	_ =	swait.ge [sflag:s10], $0x2800  }
0xf6: {  	[sflag:s10] =	ssyncset.done $0x0  }
0xf7: {  	[sflag:s10] =	ssyncadd.s32 $0xFFFFD800  }
0xf8: {  	_ =	swait.ge [sflag:s10], $0x2800  }
0xf9: {  	[sflag:s10] =	ssyncset.done $0x0  }
0xfa: {  	[sflag:s10] =	ssyncadd.s32 $0xFFFFD800  }
0xfb: {  	_ =	swait.ge [sflag:s9], $0x2800  }
0xfc: {  	[sflag:s9] =	ssyncset.done $0x0  }
0xfd: {  	[sflag:s9] =	ssyncadd.s32 $0xFFFFD800  }
0xfe: {  	_ =	swait.ge [sflag:s9], $0x2800  }
0xff: {  	[sflag:s9] =	ssyncset.done $0x0  }
0x100: {  	[sflag:s9] =	ssyncadd.s32 $0xFFFFD800  }
0x101: {  	_ =	swait.ge [sflag:s9], $0x2800  }
0x102: {  	[sflag:s9] =	ssyncset.done $0x0  }
0x103: {  	[sflag:s9] =	ssyncadd.s32 $0xFFFFD800  }
0x104: {  	_ =	swait.ge [sflag:s9], $0x2800  }
0x105: {  	[sflag:s9] =	ssyncset.done $0x0  }
0x106: {  	[sflag:s9] =	ssyncadd.s32 $0xFFFFD800  }
0x107: {  	_ =	swait.ge [sflag:s9], $0x2800  }
0x108: {  	[sflag:s9] =	ssyncset.done $0x0  }
0x109: {  	[sflag:s9] =	ssyncadd.s32 $0xFFFFD800  }
0x10a: {  	[bflag:$0x0] =	sbarrier.arrive $0xFFFF  }
0x10b: {  	[tilespmem:s22], [sflag:$0x6] =	stream.linear.gather [spmem:s4], $0x400, $0x38;
	[tilespmem:$0x19F80] =	vst v63  }
0x10c: {  	_ =	swait.ge [sflag:s23], $0x400  }
0x10d: {  	p0 =	sne.s32 s5, $0x1;
	[sflag:s23] =	ssyncset.done $0x0  }
.Ltmp0:
0x10e: {  	s15 =	rddreg [dreg:$0x17];
	[sflag:s23] =	ssyncadd.s32 $0xFFFFFC00;
	(pc) =	sbr.rel @p0 .LBB2_1-.Ltmp0, $4  }
0x10f: {  	[hbm4b:s15+s3] =	stream.linear.scatter [tilespmem:s22], [sflag:$0x6], $0x400, $0x38;
	[tilespmem:$0x19F80] =	vst v63  }
0x110: {  	_ =	swait.ge [sflag:s23], $0x400  }
0x111: {  	[sflag:s23] =	ssyncset.done $0x0  }
0x112: {  	s5 =	sadd.s32 $0xFFFFFFFF, s5;
	[sflag:s23] =	ssyncadd.s32 $0xFFFFFC00  }
0x113: {  	_ =	sfence.sel $0x180000  }
0x114: {  	[bflag:$0x0] =	sbarrier.arrive $0xFFFF  }
0x115: {  	_ =	strace $0x90000047  }
0x116: {  	s0 =	stileid.u32;
	[bflag:$0x2] =	sbarrier.arrive $0xFFFF  }
0x117: {  	p0 =	sne.s32 s0, $0x0;
	s0 =	rddreg [dreg:$0x4]  }
0x118: {  	s0 =	sadd.s32 @!p0 $0x100000, s0  }
0x119: {  	[sflag:s0] =	ssyncadd.tile.s32 @!p0 $0x1;
	_ =	shalt  }
.Lfunc_end2:
_tile_overlayer_lowered:
.L_overlay_start_2:
0x11a: {  	(tag) =	ssettag $0x2  }
0x11b: {  	s0 =	rddreg [dreg:$0x0];
	s2 =	stileid.u32  }
0x11c: {  	s1 =	rddreg [dreg:$0x1];
	p0 =	sne.s32 s2, $0x0  }
0x11d: {  	s3 =	rddreg [dreg:$0x2];
	[bflag:$0x3] =	sbarrier.arrive $0xFFFF;
	s2 =	simm.s32 @!p0 $0x1C06  }
0x11e: {  	[timem:s3], [sflag:s2] =	dma.local @!p0 [hbm:s0], s1  }
0x11f: {  	s0 =	simm.s32 @!p0 $0x6  }
0x120: {  	_ =	swait.ge @!p0 [sflag:s0], s1  }
0x121: {  	s1 =	ssub.s32 @!p0 $0x0, s1;
	[sflag:s0] =	ssyncset.done @!p0 $0x0  }
0x122: {  	[sflag:s0] =	ssyncadd.s32 @!p0 s1  }
0x123: {  	[bflag:$0x3] =	sbarrier.arrive $0xFFFF  }
0x124: {  	_ =	shalt  }

</sc_bundles>
